<compile_context>
chip_gen: v7x
topology: tpu7x:2x2x1
jax: 0.10.2.dev20260603
libtpu: 0.0.44.dev20260713+nightly
codegen_flags: <defaults>
</compile_context>

<pallas_src>
import math

import jax
import jax.numpy as jnp
from jax import lax
from jax.experimental import pallas as pl
from jax.experimental.pallas import tpu as pltpu
from jax.experimental.pallas import tpu_sc as plsc

N = 10000
N_PAD = 10240
E = 320000
D = 128
D_OUT = 64
BN_INV = 1.0 / math.sqrt(1.0 + 1e-5)

NC = 2
NS = 16
NW = NC * NS
EPW = E // NW
CHUNK = 128
EPW_PAD = 10240
NGROUP = 2
GCHUNK = EPW_PAD // (NGROUP * CHUNK)
RPT = N_PAD // NS


def _sc_agg_body(x_hbm, src_hbm, dst_hbm, out_hbm,
                 src_v, dst_v, rows_a, rows_b, acc_sh, sem_a, sem_b):
    c = lax.axis_index("c")
    s = lax.axis_index("s")
    wid = c * NS + s

    zeros16 = jnp.zeros((16,), jnp.float32)

    def zrow(r, carry):
        def zcol(cc, carry2):
            rows_a[r, pl.ds(cc * 16, 16)] = zeros16
            return carry2
        return lax.fori_loop(0, D // 16, zcol, carry)

    lax.fori_loop(0, CHUNK, zrow, 0)
    base = s * RPT

    def zcopy(t, carry):
        off = pl.multiple_of(base + t * CHUNK, 8)
        pltpu.sync_copy(rows_a, acc_sh.at[pl.ds(off, CHUNK)])
        return carry

    lax.fori_loop(0, RPT // CHUNK, zcopy, 0)
    plsc.subcore_barrier()

    def fire(j, buf, sem):
        pltpu.async_copy(x_hbm.at[src_v.at[j]], buf, sem)

    def drain(buf, sem):
        pltpu.make_async_copy(x_hbm.at[src_v.at[0]], buf, sem).wait()

    for g in range(NGROUP):
        pltpu.sync_copy(src_hbm.at[wid, g], src_v)
        pltpu.sync_copy(dst_hbm.at[wid, g], dst_v)

        fire(0, rows_a, sem_a)

        def step(i, carry):
            j = 2 * i
            fire(j + 1, rows_b, sem_b)
            drain(rows_a, sem_a)
            pltpu.sync_copy(rows_a, acc_sh.at[dst_v.at[j]], add=True)
            fire(j + 2, rows_a, sem_a)
            drain(rows_b, sem_b)
            pltpu.sync_copy(rows_b, acc_sh.at[dst_v.at[j + 1]], add=True)
            return carry

        lax.fori_loop(0, GCHUNK // 2 - 1, step, 0)
        fire(GCHUNK - 1, rows_b, sem_b)
        drain(rows_a, sem_a)
        pltpu.sync_copy(rows_a, acc_sh.at[dst_v.at[GCHUNK - 2]], add=True)
        drain(rows_b, sem_b)
        pltpu.sync_copy(rows_b, acc_sh.at[dst_v.at[GCHUNK - 1]], add=True)

    plsc.subcore_barrier()

    pltpu.sync_copy(acc_sh.at[pl.ds(base, RPT)], out_hbm.at[c, pl.ds(base, RPT)])


_sc_agg = pl.kernel(
    _sc_agg_body,
    out_type=jax.ShapeDtypeStruct((NC, N_PAD, D), jnp.float32),
    mesh=plsc.VectorSubcoreMesh(core_axis_name="c", subcore_axis_name="s",
                                num_cores=NC, num_subcores=NS),
    scratch_types=[
        pltpu.VMEM((GCHUNK, CHUNK), jnp.int32),
        pltpu.VMEM((GCHUNK, CHUNK), jnp.int32),
        pltpu.VMEM((CHUNK, D), jnp.float32),
        pltpu.VMEM((CHUNK, D), jnp.float32),
        pltpu.VMEM_SHARED((N_PAD, D), jnp.float32),
        pltpu.SemaphoreType.DMA,
        pltpu.SemaphoreType.DMA,
    ],
)


def _mlp1_body(x_ref, p_ref, W1a_ref, b1a_ref, g1_ref, be1_ref,
               W1b_ref, b1b_ref, o_ref):
    h = x_ref[...] + p_ref[0, :N] + p_ref[1, :N]
    h = jnp.dot(h, W1a_ref[...], preferred_element_type=jnp.float32) + b1a_ref[...]
    h = h * (g1_ref[...] * BN_INV) + be1_ref[...]
    h = jnp.maximum(h, 0.0)
    h = jnp.dot(h, W1b_ref[...], preferred_element_type=jnp.float32) + b1b_ref[...]
    o_ref[...] = jnp.maximum(h, 0.0)


def _mlp2_body(h_ref, q_ref, W2a_ref, b2a_ref, g2_ref, be2_ref,
               W2b_ref, b2b_ref, Wl1_ref, bl1_ref, Wl2_ref, bl2_ref, o_ref):
    h = h_ref[...] + q_ref[0, :N] + q_ref[1, :N]
    h = jnp.dot(h, W2a_ref[...], preferred_element_type=jnp.float32) + b2a_ref[...]
    h = h * (g2_ref[...] * BN_INV) + be2_ref[...]
    h = jnp.maximum(h, 0.0)
    h = jnp.dot(h, W2b_ref[...], preferred_element_type=jnp.float32) + b2b_ref[...]
    h = jnp.maximum(h, 0.0)
    h = jnp.dot(h, Wl1_ref[...], preferred_element_type=jnp.float32) + bl1_ref[...]
    h = jnp.maximum(h, 0.0)
    z = jnp.dot(h, Wl2_ref[...], preferred_element_type=jnp.float32) + bl2_ref[...]
    m = jnp.max(z, axis=1, keepdims=True)
    lse = jnp.log(jnp.sum(jnp.exp(z - m), axis=1, keepdims=True)) + m
    o_ref[...] = z - lse


_mlp1 = pl.pallas_call(
    _mlp1_body,
    out_shape=jax.ShapeDtypeStruct((N, D), jnp.float32),
)

_mlp2 = pl.pallas_call(
    _mlp2_body,
    out_shape=jax.ShapeDtypeStruct((N, D_OUT), jnp.float32),
)


def kernel(x, edge_index, W1a, b1a, g1, be1, W1b, b1b,
           W2a, b2a, g2, be2, W2b, b2b, Wl1, bl1, Wl2, bl2):
    pad = EPW_PAD - EPW
    pad_src = jnp.broadcast_to(
        jnp.arange(pad, dtype=jnp.int32) * 37 % N, (NW, pad))
    src = jnp.concatenate([edge_index[0].reshape(NW, EPW), pad_src], axis=1)
    pad_dst = jnp.broadcast_to(N + jnp.arange(pad, dtype=jnp.int32), (NW, pad))
    dst = jnp.concatenate([edge_index[1].reshape(NW, EPW), pad_dst], axis=1)
    src = src.reshape(NW, NGROUP, GCHUNK, CHUNK)
    dst = dst.reshape(NW, NGROUP, GCHUNK, CHUNK)
    b1a, g1, be1, b1b = (v.reshape(1, D) for v in (b1a, g1, be1, b1b))
    b2a, g2, be2, b2b, bl1 = (v.reshape(1, D) for v in (b2a, g2, be2, b2b, bl1))
    bl2 = bl2.reshape(1, D_OUT)

    p = _sc_agg(x, src, dst)
    h1 = _mlp1(x, p, W1a, b1a, g1, be1, W1b, b1b)
    q = _sc_agg(h1, src, dst)
    return _mlp2(h1, q, W2a, b2a, g2, be2, W2b, b2b, Wl1, bl1, Wl2, bl2)

# --- scband reference (transcript-rebuilt; emitter-appended) ---
"""Pipeline reference for scband-gin-49014166782120 (READ-ONLY COPY).

The authoritative reference and input builder live on the scoring server;
editing this copy changes nothing except your own understanding.
"""

import jax, jax.numpy as jnp
import numpy as np

N = 10000
E = 320000
D_IN = 128
D_H = 128
D_OUT = 64
BN_EPS = 1e-5


def setup_inputs(seed: int = 0) -> dict:
    key = jax.random.key(seed)
    ks = jax.random.split(key, 20)
    s = 0.05
    inp = {}
    inp['x'] = jax.random.normal(ks[0], (N, D_IN), dtype=jnp.float32)
    inp['edge_index'] = jax.random.randint(ks[1], (2, E), 0, N, dtype=jnp.int32)
    # conv1 MLP: Linear(D_IN,D_H) -> BN -> ReLU -> Linear(D_H,D_H) -> ReLU
    inp['W1a'] = jax.random.normal(ks[2], (D_IN, D_H), dtype=jnp.float32) * s
    inp['b1a'] = jnp.zeros((D_H,), dtype=jnp.float32)
    inp['g1'] = jnp.ones((D_H,), dtype=jnp.float32)
    inp['be1'] = jnp.zeros((D_H,), dtype=jnp.float32)
    inp['W1b'] = jax.random.normal(ks[3], (D_H, D_H), dtype=jnp.float32) * s
    inp['b1b'] = jnp.zeros((D_H,), dtype=jnp.float32)
    # conv2 MLP
    inp['W2a'] = jax.random.normal(ks[4], (D_H, D_H), dtype=jnp.float32) * s
    inp['b2a'] = jnp.zeros((D_H,), dtype=jnp.float32)
    inp['g2'] = jnp.ones((D_H,), dtype=jnp.float32)
    inp['be2'] = jnp.zeros((D_H,), dtype=jnp.float32)
    inp['W2b'] = jax.random.normal(ks[5], (D_H, D_H), dtype=jnp.float32) * s
    inp['b2b'] = jnp.zeros((D_H,), dtype=jnp.float32)
    # heads
    inp['Wl1'] = jax.random.normal(ks[6], (D_H, D_H), dtype=jnp.float32) * s
    inp['bl1'] = jnp.zeros((D_H,), dtype=jnp.float32)
    inp['Wl2'] = jax.random.normal(ks[7], (D_H, D_OUT), dtype=jnp.float32) * s
    inp['bl2'] = jnp.zeros((D_OUT,), dtype=jnp.float32)
    return inp


def _gin_conv(x, edge_index, Wa, ba, g, be, Wb, bb):
    # GINConv with eps=0: out = MLP((1+eps)*x + sum_{j in N(i)} x_j)
    src = edge_index[0]
    dst = edge_index[1]
    agg = jnp.zeros_like(x).at[dst].add(x[src])
    h = x + agg
    h = h @ Wa + ba
    # BatchNorm1d in eval mode: running_mean=0, running_var=1
    h = h * (g / jnp.sqrt(1.0 + BN_EPS)) + be
    h = jax.nn.relu(h)
    h = h @ Wb + bb
    h = jax.nn.relu(h)
    return h


def reference(x, edge_index, W1a, b1a, g1, be1, W1b, b1b, W2a, b2a, g2, be2, W2b, b2b, Wl1, bl1, Wl2, bl2):
    # eval mode: dropout is identity
    h = jax.nn.relu(_gin_conv(x, edge_index, W1a, b1a, g1, be1, W1b, b1b))
    h = _gin_conv(h, edge_index, W2a, b2a, g2, be2, W2b, b2b)
    h = jax.nn.relu(h @ Wl1 + bl1)
    h = h @ Wl2 + bl2
    return jax.nn.log_softmax(h, axis=1)

if __name__ == "__main__":
    import jax
    _d = setup_inputs()
    print(jax.jit(kernel)(*tuple(_d.values())))

</pallas_src>

<mosaic_0001>
#map = affine_map<(d0, d1) -> (0, 0)>
#map1 = affine_map<(d0, d1) -> (0, 0, 0, 0)>
#map2 = affine_map<(d0, d1) -> (0, 0, 0)>
module attributes {stable_mosaic.version = 14 : i64} {
  func.func @_sc_agg_body(%arg0: i32, %arg1: i32, %arg2: memref<10000x128xf32, #tpu.memory_space<hbm>>, %arg3: memref<32x2x40x128xi32, #tpu.memory_space<hbm>>, %arg4: memref<32x2x40x128xi32, #tpu.memory_space<hbm>>, %arg5: memref<2x10240x128xf32, #tpu.memory_space<hbm>>, %arg6: memref<40x128xi32, #tpu.memory_space<vmem>>, %arg7: memref<40x128xi32, #tpu.memory_space<vmem>>, %arg8: memref<128x128xf32, #tpu.memory_space<vmem>>, %arg9: memref<128x128xf32, #tpu.memory_space<vmem>>, %arg10: memref<10240x128xf32, #tpu.memory_space<vmem_shared>>, %arg11: memref<!tpu.dma_semaphore, #tpu.memory_space<semaphore_mem>>, %arg12: memref<!tpu.dma_semaphore, #tpu.memory_space<semaphore_mem>>) attributes {dimension_semantics = [#tpu.dimension_semantics<core_parallel>, #tpu.dimension_semantics<subcore_parallel>], iteration_bounds = array<i64: 2, 16>, scalar_prefetch = 0 : i64, scratch_operands = 7 : i64, tpu.core_type = #tpu.core_type<sc_vector_subcore>, window_params = [{transform_indices = #map}, {transform_indices = #map1}, {transform_indices = #map1}, {transform_indices = #map2}]} {
    %mul3A = arith.constant 16 : i32
    %mul3A_0 = arith.muli %arg0, %mul3A : i32
    %add3A = arith.addi %mul3A_0, %arg1 : i32
    %broadcast_in_dim3A = arith.constant 0.000000e+00 : f32
    %broadcast_in_dim3A_1 = vector.broadcast %broadcast_in_dim3A : f32 to vector<16xf32>
    %scan3A = arith.constant 0 : i32
    %scan3A_2 = arith.constant 0 : i32
    %scan3A_3 = arith.constant 128 : i32
    %scan3A_4 = arith.addi %scan3A_2, %scan3A_3 : i32
    %scan3A_5 = arith.constant 1 : i32
    scf.for %scan3A_89 = %scan3A_2 to %scan3A_4 step %scan3A_5  : i32 {
      %scan3A_90 = arith.constant 0 : i32
      %scan3A_91 = arith.constant 8 : i32
      %scan3A_92 = arith.addi %scan3A_90, %scan3A_91 : i32
      %scan3A_93 = arith.constant 1 : i32
      scf.for %scan3A_95 = %scan3A_90 to %scan3A_92 step %scan3A_93  : i32 {
        %mul3A_96 = arith.constant 16 : i32
        %mul3A_97 = arith.muli %scan3A_95, %mul3A_96 : i32
        %swap3A = arith.index_cast %scan3A_89 : i32 to index
        %swap3A_98 = arith.index_cast %mul3A_97 : i32 to index
        %swap3A_99 = tpu.vector_load %arg8[%swap3A, %swap3A_98] {strides = array<i32>} : memref<128x128xf32, #tpu.memory_space<vmem>>, vector<1x16xf32>,
        %swap3A_100 = vector.shape_cast %swap3A_99 : vector<1x16xf32> to vector<16xf32>
        %swap3A_101 = vector.shape_cast %broadcast_in_dim3A_1 : vector<16xf32> to vector<1x16xf32>
        tpu.vector_store %arg8[%swap3A, %swap3A_98], %swap3A_101 {strides = array<i32>} : memref<128x128xf32, #tpu.memory_space<vmem>>, vector<1x16xf32>,
      }
      %scan3A_94 = arith.constant 8 : i32
    }
    %scan3A_6 = arith.constant 128 : i32
    %mul3A_7 = arith.constant 640 : i32
    %mul3A_8 = arith.muli %arg1, %mul3A_7 : i32
    %scan3A_9 = arith.constant 0 : i32
    %scan3A_10 = arith.constant 0 : i32
    %scan3A_11 = arith.constant 5 : i32
    %scan3A_12 = arith.addi %scan3A_10, %scan3A_11 : i32
    %scan3A_13 = arith.constant 1 : i32
    scf.for %scan3A_89 = %scan3A_10 to %scan3A_12 step %scan3A_13  : i32 {
      %mul3A_90 = arith.constant 128 : i32
      %mul3A_91 = arith.muli %scan3A_89, %mul3A_90 : i32
      %add3A_92 = arith.addi %mul3A_8, %mul3A_91 : i32
      %multiple_of3A = tpu.assume_multiple %add3A_92, 8 : i32
      "tpu.region"() ({
        %run_scoped3A_93 = tpu.sem_alloc : memref<!tpu.dma_semaphore, #tpu.memory_space<semaphore_mem>>
        %dma_start3A_94 = arith.constant 0 : i32
        %dma_start3A_95 = tpu.memref_slice %arg10[%multiple_of3A, %dma_start3A_94] : memref<10240x128xf32, #tpu.memory_space<vmem_shared>> -> memref<128x128xf32, #tpu.memory_space<vmem_shared>>
        %dma_start3A_96 = arith.constant 0 : i32
        %dma_start3A_97 = tpu.memref_slice %arg10[%multiple_of3A, %dma_start3A_96] : memref<10240x128xf32, #tpu.memory_space<vmem_shared>> -> memref<128x128xf32, #tpu.memory_space<vmem_shared>>
        tpu.enqueue_dma source(%arg8 : memref<128x128xf32, #tpu.memory_space<vmem>>) target(%dma_start3A_97 : memref<128x128xf32, #tpu.memory_space<vmem_shared>>) target_semaphore(%run_scoped3A_93 : memref<!tpu.dma_semaphore, #tpu.memory_space<semaphore_mem>>)
        %dma_wait3A_98 = arith.constant 0 : i32
        %dma_wait3A_99 = tpu.memref_slice %arg10[%multiple_of3A, %dma_wait3A_98] : memref<10240x128xf32, #tpu.memory_space<vmem_shared>> -> memref<128x128xf32, #tpu.memory_space<vmem_shared>>
        %dma_wait3A_100 = arith.constant 0 : i32
        %dma_wait3A_101 = tpu.memref_slice %arg10[%multiple_of3A, %dma_wait3A_100] : memref<10240x128xf32, #tpu.memory_space<vmem_shared>> -> memref<128x128xf32, #tpu.memory_space<vmem_shared>>
        tpu.wait_dma2 semaphore(%run_scoped3A_93 : memref<!tpu.dma_semaphore, #tpu.memory_space<semaphore_mem>>) src(%arg8 : memref<128x128xf32, #tpu.memory_space<vmem>>) dst(%dma_wait3A_101 : memref<128x128xf32, #tpu.memory_space<vmem_shared>>)
        tpu.yield
      }) : () -> ()
    }
    %scan3A_14 = arith.constant 5 : i32
    %barrier3A = arith.constant 0 : index
    tpu.barrier barrier_id(%barrier3A)
    %run_scoped3A = arith.constant 0 : i32
    "tpu.region"() ({
      %run_scoped3A_89 = tpu.sem_alloc : memref<!tpu.dma_semaphore, #tpu.memory_space<semaphore_mem>>
      %dma_start3A_90 = arith.constant 0 : i32
      %dma_start3A_91 = arith.constant 0 : i32
      %dma_start3A_92 = tpu.memref_slice %arg3[%add3A, %run_scoped3A, %dma_start3A_90, %dma_start3A_91] : memref<32x2x40x128xi32, #tpu.memory_space<hbm>> -> memref<1x1x40x128xi32, #tpu.memory_space<hbm>>
      %dma_start3A_93 = tpu.memref_squeeze %dma_start3A_92 : memref<1x1x40x128xi32, #tpu.memory_space<hbm>> -> memref<40x128xi32, #tpu.memory_space<hbm>>
      %dma_start3A_94 = arith.constant 0 : i32
      %dma_start3A_95 = arith.constant 0 : i32
      %dma_start3A_96 = tpu.memref_slice %arg3[%add3A, %run_scoped3A, %dma_start3A_94, %dma_start3A_95] : memref<32x2x40x128xi32, #tpu.memory_space<hbm>> -> memref<1x1x40x128xi32, #tpu.memory_space<hbm>>
      %dma_start3A_97 = tpu.memref_squeeze %dma_start3A_96 : memref<1x1x40x128xi32, #tpu.memory_space<hbm>> -> memref<40x128xi32, #tpu.memory_space<hbm>>
      tpu.enqueue_dma source(%dma_start3A_97 : memref<40x128xi32, #tpu.memory_space<hbm>>) target(%arg6 : memref<40x128xi32, #tpu.memory_space<vmem>>) target_semaphore(%run_scoped3A_89 : memref<!tpu.dma_semaphore, #tpu.memory_space<semaphore_mem>>)
      %dma_wait3A_98 = arith.constant 0 : i32
      %dma_wait3A_99 = arith.constant 0 : i32
      %dma_wait3A_100 = tpu.memref_slice %arg3[%add3A, %run_scoped3A, %dma_wait3A_98, %dma_wait3A_99] : memref<32x2x40x128xi32, #tpu.memory_space<hbm>> -> memref<1x1x40x128xi32, #tpu.memory_space<hbm>>
      %dma_wait3A_101 = tpu.memref_squeeze %dma_wait3A_100 : memref<1x1x40x128xi32, #tpu.memory_space<hbm>> -> memref<40x128xi32, #tpu.memory_space<hbm>>
      %dma_wait3A_102 = arith.constant 0 : i32
      %dma_wait3A_103 = arith.constant 0 : i32
      %dma_wait3A_104 = tpu.memref_slice %arg3[%add3A, %run_scoped3A, %dma_wait3A_102, %dma_wait3A_103] : memref<32x2x40x128xi32, #tpu.memory_space<hbm>> -> memref<1x1x40x128xi32, #tpu.memory_space<hbm>>
      %dma_wait3A_105 = tpu.memref_squeeze %dma_wait3A_104 : memref<1x1x40x128xi32, #tpu.memory_space<hbm>> -> memref<40x128xi32, #tpu.memory_space<hbm>>
      tpu.wait_dma2 semaphore(%run_scoped3A_89 : memref<!tpu.dma_semaphore, #tpu.memory_space<semaphore_mem>>) src(%dma_wait3A_105 : memref<40x128xi32, #tpu.memory_space<hbm>>) dst(%arg6 : memref<40x128xi32, #tpu.memory_space<vmem>>)
      tpu.yield
    }) : () -> ()
    %run_scoped3A_15 = arith.constant 0 : i32
    "tpu.region"() ({
      %run_scoped3A_89 = tpu.sem_alloc : memref<!tpu.dma_semaphore, #tpu.memory_space<semaphore_mem>>
      %dma_start3A_90 = arith.constant 0 : i32
      %dma_start3A_91 = arith.constant 0 : i32
      %dma_start3A_92 = tpu.memref_slice %arg4[%add3A, %run_scoped3A_15, %dma_start3A_90, %dma_start3A_91] : memref<32x2x40x128xi32, #tpu.memory_space<hbm>> -> memref<1x1x40x128xi32, #tpu.memory_space<hbm>>
      %dma_start3A_93 = tpu.memref_squeeze %dma_start3A_92 : memref<1x1x40x128xi32, #tpu.memory_space<hbm>> -> memref<40x128xi32, #tpu.memory_space<hbm>>
      %dma_start3A_94 = arith.constant 0 : i32
      %dma_start3A_95 = arith.constant 0 : i32
      %dma_start3A_96 = tpu.memref_slice %arg4[%add3A, %run_scoped3A_15, %dma_start3A_94, %dma_start3A_95] : memref<32x2x40x128xi32, #tpu.memory_space<hbm>> -> memref<1x1x40x128xi32, #tpu.memory_space<hbm>>
      %dma_start3A_97 = tpu.memref_squeeze %dma_start3A_96 : memref<1x1x40x128xi32, #tpu.memory_space<hbm>> -> memref<40x128xi32, #tpu.memory_space<hbm>>
      tpu.enqueue_dma source(%dma_start3A_97 : memref<40x128xi32, #tpu.memory_space<hbm>>) target(%arg7 : memref<40x128xi32, #tpu.memory_space<vmem>>) target_semaphore(%run_scoped3A_89 : memref<!tpu.dma_semaphore, #tpu.memory_space<semaphore_mem>>)
      %dma_wait3A_98 = arith.constant 0 : i32
      %dma_wait3A_99 = arith.constant 0 : i32
      %dma_wait3A_100 = tpu.memref_slice %arg4[%add3A, %run_scoped3A_15, %dma_wait3A_98, %dma_wait3A_99] : memref<32x2x40x128xi32, #tpu.memory_space<hbm>> -> memref<1x1x40x128xi32, #tpu.memory_space<hbm>>
      %dma_wait3A_101 = tpu.memref_squeeze %dma_wait3A_100 : memref<1x1x40x128xi32, #tpu.memory_space<hbm>> -> memref<40x128xi32, #tpu.memory_space<hbm>>
      %dma_wait3A_102 = arith.constant 0 : i32
      %dma_wait3A_103 = arith.constant 0 : i32
      %dma_wait3A_104 = tpu.memref_slice %arg4[%add3A, %run_scoped3A_15, %dma_wait3A_102, %dma_wait3A_103] : memref<32x2x40x128xi32, #tpu.memory_space<hbm>> -> memref<1x1x40x128xi32, #tpu.memory_space<hbm>>
      %dma_wait3A_105 = tpu.memref_squeeze %dma_wait3A_104 : memref<1x1x40x128xi32, #tpu.memory_space<hbm>> -> memref<40x128xi32, #tpu.memory_space<hbm>>
      tpu.wait_dma2 semaphore(%run_scoped3A_89 : memref<!tpu.dma_semaphore, #tpu.memory_space<semaphore_mem>>) src(%dma_wait3A_105 : memref<40x128xi32, #tpu.memory_space<hbm>>) dst(%arg7 : memref<40x128xi32, #tpu.memory_space<vmem>>)
      tpu.yield
    }) : () -> ()
    %dma_start3A = arith.constant 0 : i32
    %dma_start3A_16 = arith.constant 0 : i32
    %dma_start3A_17 = tpu.memref_slice %arg6[%dma_start3A, %dma_start3A_16] : memref<40x128xi32, #tpu.memory_space<vmem>> -> memref<1x128xi32, #tpu.memory_space<vmem>>
    %dma_start3A_18 = tpu.memref_squeeze %dma_start3A_17 : memref<1x128xi32, #tpu.memory_space<vmem>> -> memref<128xi32, #tpu.memory_space<vmem>>
    %dma_start3A_19 = arith.constant 0 : i32
    %dma_start3A_20 = arith.constant 0 : i32
    %dma_start3A_21 = tpu.memref_slice %arg2[%dma_start3A_19, %dma_start3A_20] : memref<10000x128xf32, #tpu.memory_space<hbm>> -> memref<10000x128xf32, #tpu.memory_space<hbm>>
    tpu.enqueue_indirect_dma source(%dma_start3A_21 : memref<10000x128xf32, #tpu.memory_space<hbm>>) target(%arg8 : memref<128x128xf32, #tpu.memory_space<vmem>>) offsets(%dma_start3A_18 : memref<128xi32, #tpu.memory_space<vmem>>) semaphore(%arg11 : memref<!tpu.dma_semaphore, #tpu.memory_space<semaphore_mem>>)
    %scan3A_22 = arith.constant 0 : i32
    %scan3A_23 = arith.constant 0 : i32
    %scan3A_24 = arith.constant 19 : i32
    %scan3A_25 = arith.addi %scan3A_23, %scan3A_24 : i32
    %scan3A_26 = arith.constant 1 : i32
    scf.for %scan3A_89 = %scan3A_23 to %scan3A_25 step %scan3A_26  : i32 {
      %mul3A_90 = arith.constant 2 : i32
      %mul3A_91 = arith.muli %mul3A_90, %scan3A_89 : i32
      %add3A_92 = arith.constant 1 : i32
      %add3A_93 = arith.addi %mul3A_91, %add3A_92 : i32
      %dma_start3A_94 = arith.constant 0 : i32
      %dma_start3A_95 = tpu.memref_slice %arg6[%add3A_93, %dma_start3A_94] : memref<40x128xi32, #tpu.memory_space<vmem>> -> memref<1x128xi32, #tpu.memory_space<vmem>>
      %dma_start3A_96 = tpu.memref_squeeze %dma_start3A_95 : memref<1x128xi32, #tpu.memory_space<vmem>> -> memref<128xi32, #tpu.memory_space<vmem>>
      %dma_start3A_97 = arith.constant 0 : i32
      %dma_start3A_98 = arith.constant 0 : i32
      %dma_start3A_99 = tpu.memref_slice %arg2[%dma_start3A_97, %dma_start3A_98] : memref<10000x128xf32, #tpu.memory_space<hbm>> -> memref<10000x128xf32, #tpu.memory_space<hbm>>
      tpu.enqueue_indirect_dma source(%dma_start3A_99 : memref<10000x128xf32, #tpu.memory_space<hbm>>) target(%arg9 : memref<128x128xf32, #tpu.memory_space<vmem>>) offsets(%dma_start3A_96 : memref<128xi32, #tpu.memory_space<vmem>>) semaphore(%arg12 : memref<!tpu.dma_semaphore, #tpu.memory_space<semaphore_mem>>)
      %dma_wait3A_100 = arith.constant 0 : i32
      %dma_wait3A_101 = arith.constant 0 : i32
      %dma_wait3A_102 = tpu.memref_slice %arg6[%dma_wait3A_100, %dma_wait3A_101] : memref<40x128xi32, #tpu.memory_space<vmem>> -> memref<1x128xi32, #tpu.memory_space<vmem>>
      %dma_wait3A_103 = tpu.memref_squeeze %dma_wait3A_102 : memref<1x128xi32, #tpu.memory_space<vmem>> -> memref<128xi32, #tpu.memory_space<vmem>>
      %dma_wait3A_104 = arith.constant 0 : i32
      %dma_wait3A_105 = arith.constant 0 : i32
      %dma_wait3A_106 = tpu.memref_slice %arg2[%dma_wait3A_104, %dma_wait3A_105] : memref<10000x128xf32, #tpu.memory_space<hbm>> -> memref<10000x128xf32, #tpu.memory_space<hbm>>
      tpu.wait_indirect_dma semaphore(%arg11 : memref<!tpu.dma_semaphore, #tpu.memory_space<semaphore_mem>>) src(%dma_wait3A_106 : memref<10000x128xf32, #tpu.memory_space<hbm>>) dst(%arg8 : memref<128x128xf32, #tpu.memory_space<vmem>>)
      "tpu.region"() ({
        %run_scoped3A_124 = tpu.sem_alloc : memref<!tpu.dma_semaphore, #tpu.memory_space<semaphore_mem>>
        %dma_start3A_125 = arith.constant 0 : i32
        %dma_start3A_126 = tpu.memref_slice %arg7[%mul3A_91, %dma_start3A_125] : memref<40x128xi32, #tpu.memory_space<vmem>> -> memref<1x128xi32, #tpu.memory_space<vmem>>
        %dma_start3A_127 = tpu.memref_squeeze %dma_start3A_126 : memref<1x128xi32, #tpu.memory_space<vmem>> -> memref<128xi32, #tpu.memory_space<vmem>>
        %dma_start3A_128 = arith.constant 0 : i32
        %dma_start3A_129 = arith.constant 0 : i32
        %dma_start3A_130 = tpu.memref_slice %arg10[%dma_start3A_128, %dma_start3A_129] : memref<10240x128xf32, #tpu.memory_space<vmem_shared>> -> memref<10240x128xf32, #tpu.memory_space<vmem_shared>>
        tpu.enqueue_indirect_dma source(%arg8 : memref<128x128xf32, #tpu.memory_space<vmem>>) target(%dma_start3A_130 : memref<10240x128xf32, #tpu.memory_space<vmem_shared>>) offsets(%dma_start3A_127 : memref<128xi32, #tpu.memory_space<vmem>>) semaphore(%run_scoped3A_124 : memref<!tpu.dma_semaphore, #tpu.memory_space<semaphore_mem>>) {add = true}
        %dma_wait3A_131 = arith.constant 0 : i32
        %dma_wait3A_132 = tpu.memref_slice %arg7[%mul3A_91, %dma_wait3A_131] : memref<40x128xi32, #tpu.memory_space<vmem>> -> memref<1x128xi32, #tpu.memory_space<vmem>>
        %dma_wait3A_133 = tpu.memref_squeeze %dma_wait3A_132 : memref<1x128xi32, #tpu.memory_space<vmem>> -> memref<128xi32, #tpu.memory_space<vmem>>
        %dma_wait3A_134 = arith.constant 0 : i32
        %dma_wait3A_135 = arith.constant 0 : i32
        %dma_wait3A_136 = tpu.memref_slice %arg10[%dma_wait3A_134, %dma_wait3A_135] : memref<10240x128xf32, #tpu.memory_space<vmem_shared>> -> memref<10240x128xf32, #tpu.memory_space<vmem_shared>>
        tpu.wait_indirect_dma semaphore(%run_scoped3A_124 : memref<!tpu.dma_semaphore, #tpu.memory_space<semaphore_mem>>) src(%arg8 : memref<128x128xf32, #tpu.memory_space<vmem>>) dst(%dma_wait3A_136 : memref<10240x128xf32, #tpu.memory_space<vmem_shared>>)
        tpu.yield
      }) : () -> ()
      %add3A_107 = arith.constant 2 : i32
      %add3A_108 = arith.addi %mul3A_91, %add3A_107 : i32
      %dma_start3A_109 = arith.constant 0 : i32
      %dma_start3A_110 = tpu.memref_slice %arg6[%add3A_108, %dma_start3A_109] : memref<40x128xi32, #tpu.memory_space<vmem>> -> memref<1x128xi32, #tpu.memory_space<vmem>>
      %dma_start3A_111 = tpu.memref_squeeze %dma_start3A_110 : memref<1x128xi32, #tpu.memory_space<vmem>> -> memref<128xi32, #tpu.memory_space<vmem>>
      %dma_start3A_112 = arith.constant 0 : i32
      %dma_start3A_113 = arith.constant 0 : i32
      %dma_start3A_114 = tpu.memref_slice %arg2[%dma_start3A_112, %dma_start3A_113] : memref<10000x128xf32, #tpu.memory_space<hbm>> -> memref<10000x128xf32, #tpu.memory_space<hbm>>
      tpu.enqueue_indirect_dma source(%dma_start3A_114 : memref<10000x128xf32, #tpu.memory_space<hbm>>) target(%arg8 : memref<128x128xf32, #tpu.memory_space<vmem>>) offsets(%dma_start3A_111 : memref<128xi32, #tpu.memory_space<vmem>>) semaphore(%arg11 : memref<!tpu.dma_semaphore, #tpu.memory_space<semaphore_mem>>)
      %dma_wait3A_115 = arith.constant 0 : i32
      %dma_wait3A_116 = arith.constant 0 : i32
      %dma_wait3A_117 = tpu.memref_slice %arg6[%dma_wait3A_115, %dma_wait3A_116] : memref<40x128xi32, #tpu.memory_space<vmem>> -> memref<1x128xi32, #tpu.memory_space<vmem>>
      %dma_wait3A_118 = tpu.memref_squeeze %dma_wait3A_117 : memref<1x128xi32, #tpu.memory_space<vmem>> -> memref<128xi32, #tpu.memory_space<vmem>>
      %dma_wait3A_119 = arith.constant 0 : i32
      %dma_wait3A_120 = arith.constant 0 : i32
      %dma_wait3A_121 = tpu.memref_slice %arg2[%dma_wait3A_119, %dma_wait3A_120] : memref<10000x128xf32, #tpu.memory_space<hbm>> -> memref<10000x128xf32, #tpu.memory_space<hbm>>
      tpu.wait_indirect_dma semaphore(%arg12 : memref<!tpu.dma_semaphore, #tpu.memory_space<semaphore_mem>>) src(%dma_wait3A_121 : memref<10000x128xf32, #tpu.memory_space<hbm>>) dst(%arg9 : memref<128x128xf32, #tpu.memory_space<vmem>>)
      %add3A_122 = arith.constant 1 : i32
      %add3A_123 = arith.addi %mul3A_91, %add3A_122 : i32
      "tpu.region"() ({
        %run_scoped3A_124 = tpu.sem_alloc : memref<!tpu.dma_semaphore, #tpu.memory_space<semaphore_mem>>
        %dma_start3A_125 = arith.constant 0 : i32
        %dma_start3A_126 = tpu.memref_slice %arg7[%add3A_123, %dma_start3A_125] : memref<40x128xi32, #tpu.memory_space<vmem>> -> memref<1x128xi32, #tpu.memory_space<vmem>>
        %dma_start3A_127 = tpu.memref_squeeze %dma_start3A_126 : memref<1x128xi32, #tpu.memory_space<vmem>> -> memref<128xi32, #tpu.memory_space<vmem>>
        %dma_start3A_128 = arith.constant 0 : i32
        %dma_start3A_129 = arith.constant 0 : i32
        %dma_start3A_130 = tpu.memref_slice %arg10[%dma_start3A_128, %dma_start3A_129] : memref<10240x128xf32, #tpu.memory_space<vmem_shared>> -> memref<10240x128xf32, #tpu.memory_space<vmem_shared>>
        tpu.enqueue_indirect_dma source(%arg9 : memref<128x128xf32, #tpu.memory_space<vmem>>) target(%dma_start3A_130 : memref<10240x128xf32, #tpu.memory_space<vmem_shared>>) offsets(%dma_start3A_127 : memref<128xi32, #tpu.memory_space<vmem>>) semaphore(%run_scoped3A_124 : memref<!tpu.dma_semaphore, #tpu.memory_space<semaphore_mem>>) {add = true}
        %dma_wait3A_131 = arith.constant 0 : i32
        %dma_wait3A_132 = tpu.memref_slice %arg7[%add3A_123, %dma_wait3A_131] : memref<40x128xi32, #tpu.memory_space<vmem>> -> memref<1x128xi32, #tpu.memory_space<vmem>>
        %dma_wait3A_133 = tpu.memref_squeeze %dma_wait3A_132 : memref<1x128xi32, #tpu.memory_space<vmem>> -> memref<128xi32, #tpu.memory_space<vmem>>
        %dma_wait3A_134 = arith.constant 0 : i32
        %dma_wait3A_135 = arith.constant 0 : i32
        %dma_wait3A_136 = tpu.memref_slice %arg10[%dma_wait3A_134, %dma_wait3A_135] : memref<10240x128xf32, #tpu.memory_space<vmem_shared>> -> memref<10240x128xf32, #tpu.memory_space<vmem_shared>>
        tpu.wait_indirect_dma semaphore(%run_scoped3A_124 : memref<!tpu.dma_semaphore, #tpu.memory_space<semaphore_mem>>) src(%arg9 : memref<128x128xf32, #tpu.memory_space<vmem>>) dst(%dma_wait3A_136 : memref<10240x128xf32, #tpu.memory_space<vmem_shared>>)
        tpu.yield
      }) : () -> ()
    }
    %scan3A_27 = arith.constant 19 : i32
    %dma_start3A_28 = arith.constant 39 : i32
    %dma_start3A_29 = arith.constant 0 : i32
    %dma_start3A_30 = tpu.memref_slice %arg6[%dma_start3A_28, %dma_start3A_29] : memref<40x128xi32, #tpu.memory_space<vmem>> -> memref<1x128xi32, #tpu.memory_space<vmem>>
    %dma_start3A_31 = tpu.memref_squeeze %dma_start3A_30 : memref<1x128xi32, #tpu.memory_space<vmem>> -> memref<128xi32, #tpu.memory_space<vmem>>
    %dma_start3A_32 = arith.constant 0 : i32
    %dma_start3A_33 = arith.constant 0 : i32
    %dma_start3A_34 = tpu.memref_slice %arg2[%dma_start3A_32, %dma_start3A_33] : memref<10000x128xf32, #tpu.memory_space<hbm>> -> memref<10000x128xf32, #tpu.memory_space<hbm>>
    tpu.enqueue_indirect_dma source(%dma_start3A_34 : memref<10000x128xf32, #tpu.memory_space<hbm>>) target(%arg9 : memref<128x128xf32, #tpu.memory_space<vmem>>) offsets(%dma_start3A_31 : memref<128xi32, #tpu.memory_space<vmem>>) semaphore(%arg12 : memref<!tpu.dma_semaphore, #tpu.memory_space<semaphore_mem>>)
    %dma_wait3A = arith.constant 0 : i32
    %dma_wait3A_35 = arith.constant 0 : i32
    %dma_wait3A_36 = tpu.memref_slice %arg6[%dma_wait3A, %dma_wait3A_35] : memref<40x128xi32, #tpu.memory_space<vmem>> -> memref<1x128xi32, #tpu.memory_space<vmem>>
    %dma_wait3A_37 = tpu.memref_squeeze %dma_wait3A_36 : memref<1x128xi32, #tpu.memory_space<vmem>> -> memref<128xi32, #tpu.memory_space<vmem>>
    %dma_wait3A_38 = arith.constant 0 : i32
    %dma_wait3A_39 = arith.constant 0 : i32
    %dma_wait3A_40 = tpu.memref_slice %arg2[%dma_wait3A_38, %dma_wait3A_39] : memref<10000x128xf32, #tpu.memory_space<hbm>> -> memref<10000x128xf32, #tpu.memory_space<hbm>>
    tpu.wait_indirect_dma semaphore(%arg11 : memref<!tpu.dma_semaphore, #tpu.memory_space<semaphore_mem>>) src(%dma_wait3A_40 : memref<10000x128xf32, #tpu.memory_space<hbm>>) dst(%arg8 : memref<128x128xf32, #tpu.memory_space<vmem>>)
    %run_scoped3A_41 = arith.constant 38 : i32
    "tpu.region"() ({
      %run_scoped3A_89 = tpu.sem_alloc : memref<!tpu.dma_semaphore, #tpu.memory_space<semaphore_mem>>
      %dma_start3A_90 = arith.constant 0 : i32
      %dma_start3A_91 = tpu.memref_slice %arg7[%run_scoped3A_41, %dma_start3A_90] : memref<40x128xi32, #tpu.memory_space<vmem>> -> memref<1x128xi32, #tpu.memory_space<vmem>>
      %dma_start3A_92 = tpu.memref_squeeze %dma_start3A_91 : memref<1x128xi32, #tpu.memory_space<vmem>> -> memref<128xi32, #tpu.memory_space<vmem>>
      %dma_start3A_93 = arith.constant 0 : i32
      %dma_start3A_94 = arith.constant 0 : i32
      %dma_start3A_95 = tpu.memref_slice %arg10[%dma_start3A_93, %dma_start3A_94] : memref<10240x128xf32, #tpu.memory_space<vmem_shared>> -> memref<10240x128xf32, #tpu.memory_space<vmem_shared>>
      tpu.enqueue_indirect_dma source(%arg8 : memref<128x128xf32, #tpu.memory_space<vmem>>) target(%dma_start3A_95 : memref<10240x128xf32, #tpu.memory_space<vmem_shared>>) offsets(%dma_start3A_92 : memref<128xi32, #tpu.memory_space<vmem>>) semaphore(%run_scoped3A_89 : memref<!tpu.dma_semaphore, #tpu.memory_space<semaphore_mem>>) {add = true}
      %dma_wait3A_96 = arith.constant 0 : i32
      %dma_wait3A_97 = tpu.memref_slice %arg7[%run_scoped3A_41, %dma_wait3A_96] : memref<40x128xi32, #tpu.memory_space<vmem>> -> memref<1x128xi32, #tpu.memory_space<vmem>>
      %dma_wait3A_98 = tpu.memref_squeeze %dma_wait3A_97 : memref<1x128xi32, #tpu.memory_space<vmem>> -> memref<128xi32, #tpu.memory_space<vmem>>
      %dma_wait3A_99 = arith.constant 0 : i32
      %dma_wait3A_100 = arith.constant 0 : i32
      %dma_wait3A_101 = tpu.memref_slice %arg10[%dma_wait3A_99, %dma_wait3A_100] : memref<10240x128xf32, #tpu.memory_space<vmem_shared>> -> memref<10240x128xf32, #tpu.memory_space<vmem_shared>>
      tpu.wait_indirect_dma semaphore(%run_scoped3A_89 : memref<!tpu.dma_semaphore, #tpu.memory_space<semaphore_mem>>) src(%arg8 : memref<128x128xf32, #tpu.memory_space<vmem>>) dst(%dma_wait3A_101 : memref<10240x128xf32, #tpu.memory_space<vmem_shared>>)
      tpu.yield
    }) : () -> ()
    %dma_wait3A_42 = arith.constant 0 : i32
    %dma_wait3A_43 = arith.constant 0 : i32
    %dma_wait3A_44 = tpu.memref_slice %arg6[%dma_wait3A_42, %dma_wait3A_43] : memref<40x128xi32, #tpu.memory_space<vmem>> -> memref<1x128xi32, #tpu.memory_space<vmem>>
    %dma_wait3A_45 = tpu.memref_squeeze %dma_wait3A_44 : memref<1x128xi32, #tpu.memory_space<vmem>> -> memref<128xi32, #tpu.memory_space<vmem>>
    %dma_wait3A_46 = arith.constant 0 : i32
    %dma_wait3A_47 = arith.constant 0 : i32
    %dma_wait3A_48 = tpu.memref_slice %arg2[%dma_wait3A_46, %dma_wait3A_47] : memref<10000x128xf32, #tpu.memory_space<hbm>> -> memref<10000x128xf32, #tpu.memory_space<hbm>>
    tpu.wait_indirect_dma semaphore(%arg12 : memref<!tpu.dma_semaphore, #tpu.memory_space<semaphore_mem>>) src(%dma_wait3A_48 : memref<10000x128xf32, #tpu.memory_space<hbm>>) dst(%arg9 : memref<128x128xf32, #tpu.memory_space<vmem>>)
    %run_scoped3A_49 = arith.constant 39 : i32
    "tpu.region"() ({
      %run_scoped3A_89 = tpu.sem_alloc : memref<!tpu.dma_semaphore, #tpu.memory_space<semaphore_mem>>
      %dma_start3A_90 = arith.constant 0 : i32
      %dma_start3A_91 = tpu.memref_slice %arg7[%run_scoped3A_49, %dma_start3A_90] : memref<40x128xi32, #tpu.memory_space<vmem>> -> memref<1x128xi32, #tpu.memory_space<vmem>>
      %dma_start3A_92 = tpu.memref_squeeze %dma_start3A_91 : memref<1x128xi32, #tpu.memory_space<vmem>> -> memref<128xi32, #tpu.memory_space<vmem>>
      %dma_start3A_93 = arith.constant 0 : i32
      %dma_start3A_94 = arith.constant 0 : i32
      %dma_start3A_95 = tpu.memref_slice %arg10[%dma_start3A_93, %dma_start3A_94] : memref<10240x128xf32, #tpu.memory_space<vmem_shared>> -> memref<10240x128xf32, #tpu.memory_space<vmem_shared>>
      tpu.enqueue_indirect_dma source(%arg9 : memref<128x128xf32, #tpu.memory_space<vmem>>) target(%dma_start3A_95 : memref<10240x128xf32, #tpu.memory_space<vmem_shared>>) offsets(%dma_start3A_92 : memref<128xi32, #tpu.memory_space<vmem>>) semaphore(%run_scoped3A_89 : memref<!tpu.dma_semaphore, #tpu.memory_space<semaphore_mem>>) {add = true}
      %dma_wait3A_96 = arith.constant 0 : i32
      %dma_wait3A_97 = tpu.memref_slice %arg7[%run_scoped3A_49, %dma_wait3A_96] : memref<40x128xi32, #tpu.memory_space<vmem>> -> memref<1x128xi32, #tpu.memory_space<vmem>>
      %dma_wait3A_98 = tpu.memref_squeeze %dma_wait3A_97 : memref<1x128xi32, #tpu.memory_space<vmem>> -> memref<128xi32, #tpu.memory_space<vmem>>
      %dma_wait3A_99 = arith.constant 0 : i32
      %dma_wait3A_100 = arith.constant 0 : i32
      %dma_wait3A_101 = tpu.memref_slice %arg10[%dma_wait3A_99, %dma_wait3A_100] : memref<10240x128xf32, #tpu.memory_space<vmem_shared>> -> memref<10240x128xf32, #tpu.memory_space<vmem_shared>>
      tpu.wait_indirect_dma semaphore(%run_scoped3A_89 : memref<!tpu.dma_semaphore, #tpu.memory_space<semaphore_mem>>) src(%arg9 : memref<128x128xf32, #tpu.memory_space<vmem>>) dst(%dma_wait3A_101 : memref<10240x128xf32, #tpu.memory_space<vmem_shared>>)
      tpu.yield
    }) : () -> ()
    %run_scoped3A_50 = arith.constant 1 : i32
    "tpu.region"() ({
      %run_scoped3A_89 = tpu.sem_alloc : memref<!tpu.dma_semaphore, #tpu.memory_space<semaphore_mem>>
      %dma_start3A_90 = arith.constant 0 : i32
      %dma_start3A_91 = arith.constant 0 : i32
      %dma_start3A_92 = tpu.memref_slice %arg3[%add3A, %run_scoped3A_50, %dma_start3A_90, %dma_start3A_91] : memref<32x2x40x128xi32, #tpu.memory_space<hbm>> -> memref<1x1x40x128xi32, #tpu.memory_space<hbm>>
      %dma_start3A_93 = tpu.memref_squeeze %dma_start3A_92 : memref<1x1x40x128xi32, #tpu.memory_space<hbm>> -> memref<40x128xi32, #tpu.memory_space<hbm>>
      %dma_start3A_94 = arith.constant 0 : i32
      %dma_start3A_95 = arith.constant 0 : i32
      %dma_start3A_96 = tpu.memref_slice %arg3[%add3A, %run_scoped3A_50, %dma_start3A_94, %dma_start3A_95] : memref<32x2x40x128xi32, #tpu.memory_space<hbm>> -> memref<1x1x40x128xi32, #tpu.memory_space<hbm>>
      %dma_start3A_97 = tpu.memref_squeeze %dma_start3A_96 : memref<1x1x40x128xi32, #tpu.memory_space<hbm>> -> memref<40x128xi32, #tpu.memory_space<hbm>>
      tpu.enqueue_dma source(%dma_start3A_97 : memref<40x128xi32, #tpu.memory_space<hbm>>) target(%arg6 : memref<40x128xi32, #tpu.memory_space<vmem>>) target_semaphore(%run_scoped3A_89 : memref<!tpu.dma_semaphore, #tpu.memory_space<semaphore_mem>>)
      %dma_wait3A_98 = arith.constant 0 : i32
      %dma_wait3A_99 = arith.constant 0 : i32
      %dma_wait3A_100 = tpu.memref_slice %arg3[%add3A, %run_scoped3A_50, %dma_wait3A_98, %dma_wait3A_99] : memref<32x2x40x128xi32, #tpu.memory_space<hbm>> -> memref<1x1x40x128xi32, #tpu.memory_space<hbm>>
      %dma_wait3A_101 = tpu.memref_squeeze %dma_wait3A_100 : memref<1x1x40x128xi32, #tpu.memory_space<hbm>> -> memref<40x128xi32, #tpu.memory_space<hbm>>
      %dma_wait3A_102 = arith.constant 0 : i32
      %dma_wait3A_103 = arith.constant 0 : i32
      %dma_wait3A_104 = tpu.memref_slice %arg3[%add3A, %run_scoped3A_50, %dma_wait3A_102, %dma_wait3A_103] : memref<32x2x40x128xi32, #tpu.memory_space<hbm>> -> memref<1x1x40x128xi32, #tpu.memory_space<hbm>>
      %dma_wait3A_105 = tpu.memref_squeeze %dma_wait3A_104 : memref<1x1x40x128xi32, #tpu.memory_space<hbm>> -> memref<40x128xi32, #tpu.memory_space<hbm>>
      tpu.wait_dma2 semaphore(%run_scoped3A_89 : memref<!tpu.dma_semaphore, #tpu.memory_space<semaphore_mem>>) src(%dma_wait3A_105 : memref<40x128xi32, #tpu.memory_space<hbm>>) dst(%arg6 : memref<40x128xi32, #tpu.memory_space<vmem>>)
      tpu.yield
    }) : () -> ()
    %run_scoped3A_51 = arith.constant 1 : i32
    "tpu.region"() ({
      %run_scoped3A_89 = tpu.sem_alloc : memref<!tpu.dma_semaphore, #tpu.memory_space<semaphore_mem>>
      %dma_start3A_90 = arith.constant 0 : i32
      %dma_start3A_91 = arith.constant 0 : i32
      %dma_start3A_92 = tpu.memref_slice %arg4[%add3A, %run_scoped3A_51, %dma_start3A_90, %dma_start3A_91] : memref<32x2x40x128xi32, #tpu.memory_space<hbm>> -> memref<1x1x40x128xi32, #tpu.memory_space<hbm>>
      %dma_start3A_93 = tpu.memref_squeeze %dma_start3A_92 : memref<1x1x40x128xi32, #tpu.memory_space<hbm>> -> memref<40x128xi32, #tpu.memory_space<hbm>>
      %dma_start3A_94 = arith.constant 0 : i32
      %dma_start3A_95 = arith.constant 0 : i32
      %dma_start3A_96 = tpu.memref_slice %arg4[%add3A, %run_scoped3A_51, %dma_start3A_94, %dma_start3A_95] : memref<32x2x40x128xi32, #tpu.memory_space<hbm>> -> memref<1x1x40x128xi32, #tpu.memory_space<hbm>>
      %dma_start3A_97 = tpu.memref_squeeze %dma_start3A_96 : memref<1x1x40x128xi32, #tpu.memory_space<hbm>> -> memref<40x128xi32, #tpu.memory_space<hbm>>
      tpu.enqueue_dma source(%dma_start3A_97 : memref<40x128xi32, #tpu.memory_space<hbm>>) target(%arg7 : memref<40x128xi32, #tpu.memory_space<vmem>>) target_semaphore(%run_scoped3A_89 : memref<!tpu.dma_semaphore, #tpu.memory_space<semaphore_mem>>)
      %dma_wait3A_98 = arith.constant 0 : i32
      %dma_wait3A_99 = arith.constant 0 : i32
      %dma_wait3A_100 = tpu.memref_slice %arg4[%add3A, %run_scoped3A_51, %dma_wait3A_98, %dma_wait3A_99] : memref<32x2x40x128xi32, #tpu.memory_space<hbm>> -> memref<1x1x40x128xi32, #tpu.memory_space<hbm>>
      %dma_wait3A_101 = tpu.memref_squeeze %dma_wait3A_100 : memref<1x1x40x128xi32, #tpu.memory_space<hbm>> -> memref<40x128xi32, #tpu.memory_space<hbm>>
      %dma_wait3A_102 = arith.constant 0 : i32
      %dma_wait3A_103 = arith.constant 0 : i32
      %dma_wait3A_104 = tpu.memref_slice %arg4[%add3A, %run_scoped3A_51, %dma_wait3A_102, %dma_wait3A_103] : memref<32x2x40x128xi32, #tpu.memory_space<hbm>> -> memref<1x1x40x128xi32, #tpu.memory_space<hbm>>
      %dma_wait3A_105 = tpu.memref_squeeze %dma_wait3A_104 : memref<1x1x40x128xi32, #tpu.memory_space<hbm>> -> memref<40x128xi32, #tpu.memory_space<hbm>>
      tpu.wait_dma2 semaphore(%run_scoped3A_89 : memref<!tpu.dma_semaphore, #tpu.memory_space<semaphore_mem>>) src(%dma_wait3A_105 : memref<40x128xi32, #tpu.memory_space<hbm>>) dst(%arg7 : memref<40x128xi32, #tpu.memory_space<vmem>>)
      tpu.yield
    }) : () -> ()
    %dma_start3A_52 = arith.constant 0 : i32
    %dma_start3A_53 = arith.constant 0 : i32
    %dma_start3A_54 = tpu.memref_slice %arg6[%dma_start3A_52, %dma_start3A_53] : memref<40x128xi32, #tpu.memory_space<vmem>> -> memref<1x128xi32, #tpu.memory_space<vmem>>
    %dma_start3A_55 = tpu.memref_squeeze %dma_start3A_54 : memref<1x128xi32, #tpu.memory_space<vmem>> -> memref<128xi32, #tpu.memory_space<vmem>>
    %dma_start3A_56 = arith.constant 0 : i32
    %dma_start3A_57 = arith.constant 0 : i32
    %dma_start3A_58 = tpu.memref_slice %arg2[%dma_start3A_56, %dma_start3A_57] : memref<10000x128xf32, #tpu.memory_space<hbm>> -> memref<10000x128xf32, #tpu.memory_space<hbm>>
    tpu.enqueue_indirect_dma source(%dma_start3A_58 : memref<10000x128xf32, #tpu.memory_space<hbm>>) target(%arg8 : memref<128x128xf32, #tpu.memory_space<vmem>>) offsets(%dma_start3A_55 : memref<128xi32, #tpu.memory_space<vmem>>) semaphore(%arg11 : memref<!tpu.dma_semaphore, #tpu.memory_space<semaphore_mem>>)
    %scan3A_59 = arith.constant 0 : i32
    %scan3A_60 = arith.constant 0 : i32
    %scan3A_61 = arith.constant 19 : i32
    %scan3A_62 = arith.addi %scan3A_60, %scan3A_61 : i32
    %scan3A_63 = arith.constant 1 : i32
    scf.for %scan3A_89 = %scan3A_60 to %scan3A_62 step %scan3A_63  : i32 {
      %mul3A_90 = arith.constant 2 : i32
      %mul3A_91 = arith.muli %mul3A_90, %scan3A_89 : i32
      %add3A_92 = arith.constant 1 : i32
      %add3A_93 = arith.addi %mul3A_91, %add3A_92 : i32
      %dma_start3A_94 = arith.constant 0 : i32
      %dma_start3A_95 = tpu.memref_slice %arg6[%add3A_93, %dma_start3A_94] : memref<40x128xi32, #tpu.memory_space<vmem>> -> memref<1x128xi32, #tpu.memory_space<vmem>>
      %dma_start3A_96 = tpu.memref_squeeze %dma_start3A_95 : memref<1x128xi32, #tpu.memory_space<vmem>> -> memref<128xi32, #tpu.memory_space<vmem>>
      %dma_start3A_97 = arith.constant 0 : i32
      %dma_start3A_98 = arith.constant 0 : i32
      %dma_start3A_99 = tpu.memref_slice %arg2[%dma_start3A_97, %dma_start3A_98] : memref<10000x128xf32, #tpu.memory_space<hbm>> -> memref<10000x128xf32, #tpu.memory_space<hbm>>
      tpu.enqueue_indirect_dma source(%dma_start3A_99 : memref<10000x128xf32, #tpu.memory_space<hbm>>) target(%arg9 : memref<128x128xf32, #tpu.memory_space<vmem>>) offsets(%dma_start3A_96 : memref<128xi32, #tpu.memory_space<vmem>>) semaphore(%arg12 : memref<!tpu.dma_semaphore, #tpu.memory_space<semaphore_mem>>)
      %dma_wait3A_100 = arith.constant 0 : i32
      %dma_wait3A_101 = arith.constant 0 : i32
      %dma_wait3A_102 = tpu.memref_slice %arg6[%dma_wait3A_100, %dma_wait3A_101] : memref<40x128xi32, #tpu.memory_space<vmem>> -> memref<1x128xi32, #tpu.memory_space<vmem>>
      %dma_wait3A_103 = tpu.memref_squeeze %dma_wait3A_102 : memref<1x128xi32, #tpu.memory_space<vmem>> -> memref<128xi32, #tpu.memory_space<vmem>>
      %dma_wait3A_104 = arith.constant 0 : i32
      %dma_wait3A_105 = arith.constant 0 : i32
      %dma_wait3A_106 = tpu.memref_slice %arg2[%dma_wait3A_104, %dma_wait3A_105] : memref<10000x128xf32, #tpu.memory_space<hbm>> -> memref<10000x128xf32, #tpu.memory_space<hbm>>
      tpu.wait_indirect_dma semaphore(%arg11 : memref<!tpu.dma_semaphore, #tpu.memory_space<semaphore_mem>>) src(%dma_wait3A_106 : memref<10000x128xf32, #tpu.memory_space<hbm>>) dst(%arg8 : memref<128x128xf32, #tpu.memory_space<vmem>>)
      "tpu.region"() ({
        %run_scoped3A_124 = tpu.sem_alloc : memref<!tpu.dma_semaphore, #tpu.memory_space<semaphore_mem>>
        %dma_start3A_125 = arith.constant 0 : i32
        %dma_start3A_126 = tpu.memref_slice %arg7[%mul3A_91, %dma_start3A_125] : memref<40x128xi32, #tpu.memory_space<vmem>> -> memref<1x128xi32, #tpu.memory_space<vmem>>
        %dma_start3A_127 = tpu.memref_squeeze %dma_start3A_126 : memref<1x128xi32, #tpu.memory_space<vmem>> -> memref<128xi32, #tpu.memory_space<vmem>>
        %dma_start3A_128 = arith.constant 0 : i32
        %dma_start3A_129 = arith.constant 0 : i32
        %dma_start3A_130 = tpu.memref_slice %arg10[%dma_start3A_128, %dma_start3A_129] : memref<10240x128xf32, #tpu.memory_space<vmem_shared>> -> memref<10240x128xf32, #tpu.memory_space<vmem_shared>>
        tpu.enqueue_indirect_dma source(%arg8 : memref<128x128xf32, #tpu.memory_space<vmem>>) target(%dma_start3A_130 : memref<10240x128xf32, #tpu.memory_space<vmem_shared>>) offsets(%dma_start3A_127 : memref<128xi32, #tpu.memory_space<vmem>>) semaphore(%run_scoped3A_124 : memref<!tpu.dma_semaphore, #tpu.memory_space<semaphore_mem>>) {add = true}
        %dma_wait3A_131 = arith.constant 0 : i32
        %dma_wait3A_132 = tpu.memref_slice %arg7[%mul3A_91, %dma_wait3A_131] : memref<40x128xi32, #tpu.memory_space<vmem>> -> memref<1x128xi32, #tpu.memory_space<vmem>>
        %dma_wait3A_133 = tpu.memref_squeeze %dma_wait3A_132 : memref<1x128xi32, #tpu.memory_space<vmem>> -> memref<128xi32, #tpu.memory_space<vmem>>
        %dma_wait3A_134 = arith.constant 0 : i32
        %dma_wait3A_135 = arith.constant 0 : i32
        %dma_wait3A_136 = tpu.memref_slice %arg10[%dma_wait3A_134, %dma_wait3A_135] : memref<10240x128xf32, #tpu.memory_space<vmem_shared>> -> memref<10240x128xf32, #tpu.memory_space<vmem_shared>>
        tpu.wait_indirect_dma semaphore(%run_scoped3A_124 : memref<!tpu.dma_semaphore, #tpu.memory_space<semaphore_mem>>) src(%arg8 : memref<128x128xf32, #tpu.memory_space<vmem>>) dst(%dma_wait3A_136 : memref<10240x128xf32, #tpu.memory_space<vmem_shared>>)
        tpu.yield
      }) : () -> ()
      %add3A_107 = arith.constant 2 : i32
      %add3A_108 = arith.addi %mul3A_91, %add3A_107 : i32
      %dma_start3A_109 = arith.constant 0 : i32
      %dma_start3A_110 = tpu.memref_slice %arg6[%add3A_108, %dma_start3A_109] : memref<40x128xi32, #tpu.memory_space<vmem>> -> memref<1x128xi32, #tpu.memory_space<vmem>>
      %dma_start3A_111 = tpu.memref_squeeze %dma_start3A_110 : memref<1x128xi32, #tpu.memory_space<vmem>> -> memref<128xi32, #tpu.memory_space<vmem>>
      %dma_start3A_112 = arith.constant 0 : i32
      %dma_start3A_113 = arith.constant 0 : i32
      %dma_start3A_114 = tpu.memref_slice %arg2[%dma_start3A_112, %dma_start3A_113] : memref<10000x128xf32, #tpu.memory_space<hbm>> -> memref<10000x128xf32, #tpu.memory_space<hbm>>
      tpu.enqueue_indirect_dma source(%dma_start3A_114 : memref<10000x128xf32, #tpu.memory_space<hbm>>) target(%arg8 : memref<128x128xf32, #tpu.memory_space<vmem>>) offsets(%dma_start3A_111 : memref<128xi32, #tpu.memory_space<vmem>>) semaphore(%arg11 : memref<!tpu.dma_semaphore, #tpu.memory_space<semaphore_mem>>)
      %dma_wait3A_115 = arith.constant 0 : i32
      %dma_wait3A_116 = arith.constant 0 : i32
      %dma_wait3A_117 = tpu.memref_slice %arg6[%dma_wait3A_115, %dma_wait3A_116] : memref<40x128xi32, #tpu.memory_space<vmem>> -> memref<1x128xi32, #tpu.memory_space<vmem>>
      %dma_wait3A_118 = tpu.memref_squeeze %dma_wait3A_117 : memref<1x128xi32, #tpu.memory_space<vmem>> -> memref<128xi32, #tpu.memory_space<vmem>>
      %dma_wait3A_119 = arith.constant 0 : i32
      %dma_wait3A_120 = arith.constant 0 : i32
      %dma_wait3A_121 = tpu.memref_slice %arg2[%dma_wait3A_119, %dma_wait3A_120] : memref<10000x128xf32, #tpu.memory_space<hbm>> -> memref<10000x128xf32, #tpu.memory_space<hbm>>
      tpu.wait_indirect_dma semaphore(%arg12 : memref<!tpu.dma_semaphore, #tpu.memory_space<semaphore_mem>>) src(%dma_wait3A_121 : memref<10000x128xf32, #tpu.memory_space<hbm>>) dst(%arg9 : memref<128x128xf32, #tpu.memory_space<vmem>>)
      %add3A_122 = arith.constant 1 : i32
      %add3A_123 = arith.addi %mul3A_91, %add3A_122 : i32
      "tpu.region"() ({
        %run_scoped3A_124 = tpu.sem_alloc : memref<!tpu.dma_semaphore, #tpu.memory_space<semaphore_mem>>
        %dma_start3A_125 = arith.constant 0 : i32
        %dma_start3A_126 = tpu.memref_slice %arg7[%add3A_123, %dma_start3A_125] : memref<40x128xi32, #tpu.memory_space<vmem>> -> memref<1x128xi32, #tpu.memory_space<vmem>>
        %dma_start3A_127 = tpu.memref_squeeze %dma_start3A_126 : memref<1x128xi32, #tpu.memory_space<vmem>> -> memref<128xi32, #tpu.memory_space<vmem>>
        %dma_start3A_128 = arith.constant 0 : i32
        %dma_start3A_129 = arith.constant 0 : i32
        %dma_start3A_130 = tpu.memref_slice %arg10[%dma_start3A_128, %dma_start3A_129] : memref<10240x128xf32, #tpu.memory_space<vmem_shared>> -> memref<10240x128xf32, #tpu.memory_space<vmem_shared>>
        tpu.enqueue_indirect_dma source(%arg9 : memref<128x128xf32, #tpu.memory_space<vmem>>) target(%dma_start3A_130 : memref<10240x128xf32, #tpu.memory_space<vmem_shared>>) offsets(%dma_start3A_127 : memref<128xi32, #tpu.memory_space<vmem>>) semaphore(%run_scoped3A_124 : memref<!tpu.dma_semaphore, #tpu.memory_space<semaphore_mem>>) {add = true}
        %dma_wait3A_131 = arith.constant 0 : i32
        %dma_wait3A_132 = tpu.memref_slice %arg7[%add3A_123, %dma_wait3A_131] : memref<40x128xi32, #tpu.memory_space<vmem>> -> memref<1x128xi32, #tpu.memory_space<vmem>>
        %dma_wait3A_133 = tpu.memref_squeeze %dma_wait3A_132 : memref<1x128xi32, #tpu.memory_space<vmem>> -> memref<128xi32, #tpu.memory_space<vmem>>
        %dma_wait3A_134 = arith.constant 0 : i32
        %dma_wait3A_135 = arith.constant 0 : i32
        %dma_wait3A_136 = tpu.memref_slice %arg10[%dma_wait3A_134, %dma_wait3A_135] : memref<10240x128xf32, #tpu.memory_space<vmem_shared>> -> memref<10240x128xf32, #tpu.memory_space<vmem_shared>>
        tpu.wait_indirect_dma semaphore(%run_scoped3A_124 : memref<!tpu.dma_semaphore, #tpu.memory_space<semaphore_mem>>) src(%arg9 : memref<128x128xf32, #tpu.memory_space<vmem>>) dst(%dma_wait3A_136 : memref<10240x128xf32, #tpu.memory_space<vmem_shared>>)
        tpu.yield
      }) : () -> ()
    }
    %scan3A_64 = arith.constant 19 : i32
    %dma_start3A_65 = arith.constant 39 : i32
    %dma_start3A_66 = arith.constant 0 : i32
    %dma_start3A_67 = tpu.memref_slice %arg6[%dma_start3A_65, %dma_start3A_66] : memref<40x128xi32, #tpu.memory_space<vmem>> -> memref<1x128xi32, #tpu.memory_space<vmem>>
    %dma_start3A_68 = tpu.memref_squeeze %dma_start3A_67 : memref<1x128xi32, #tpu.memory_space<vmem>> -> memref<128xi32, #tpu.memory_space<vmem>>
    %dma_start3A_69 = arith.constant 0 : i32
    %dma_start3A_70 = arith.constant 0 : i32
    %dma_start3A_71 = tpu.memref_slice %arg2[%dma_start3A_69, %dma_start3A_70] : memref<10000x128xf32, #tpu.memory_space<hbm>> -> memref<10000x128xf32, #tpu.memory_space<hbm>>
    tpu.enqueue_indirect_dma source(%dma_start3A_71 : memref<10000x128xf32, #tpu.memory_space<hbm>>) target(%arg9 : memref<128x128xf32, #tpu.memory_space<vmem>>) offsets(%dma_start3A_68 : memref<128xi32, #tpu.memory_space<vmem>>) semaphore(%arg12 : memref<!tpu.dma_semaphore, #tpu.memory_space<semaphore_mem>>)
    %dma_wait3A_72 = arith.constant 0 : i32
    %dma_wait3A_73 = arith.constant 0 : i32
    %dma_wait3A_74 = tpu.memref_slice %arg6[%dma_wait3A_72, %dma_wait3A_73] : memref<40x128xi32, #tpu.memory_space<vmem>> -> memref<1x128xi32, #tpu.memory_space<vmem>>
    %dma_wait3A_75 = tpu.memref_squeeze %dma_wait3A_74 : memref<1x128xi32, #tpu.memory_space<vmem>> -> memref<128xi32, #tpu.memory_space<vmem>>
    %dma_wait3A_76 = arith.constant 0 : i32
    %dma_wait3A_77 = arith.constant 0 : i32
    %dma_wait3A_78 = tpu.memref_slice %arg2[%dma_wait3A_76, %dma_wait3A_77] : memref<10000x128xf32, #tpu.memory_space<hbm>> -> memref<10000x128xf32, #tpu.memory_space<hbm>>
    tpu.wait_indirect_dma semaphore(%arg11 : memref<!tpu.dma_semaphore, #tpu.memory_space<semaphore_mem>>) src(%dma_wait3A_78 : memref<10000x128xf32, #tpu.memory_space<hbm>>) dst(%arg8 : memref<128x128xf32, #tpu.memory_space<vmem>>)
    %run_scoped3A_79 = arith.constant 38 : i32
    "tpu.region"() ({
      %run_scoped3A_89 = tpu.sem_alloc : memref<!tpu.dma_semaphore, #tpu.memory_space<semaphore_mem>>
      %dma_start3A_90 = arith.constant 0 : i32
      %dma_start3A_91 = tpu.memref_slice %arg7[%run_scoped3A_79, %dma_start3A_90] : memref<40x128xi32, #tpu.memory_space<vmem>> -> memref<1x128xi32, #tpu.memory_space<vmem>>
      %dma_start3A_92 = tpu.memref_squeeze %dma_start3A_91 : memref<1x128xi32, #tpu.memory_space<vmem>> -> memref<128xi32, #tpu.memory_space<vmem>>
      %dma_start3A_93 = arith.constant 0 : i32
      %dma_start3A_94 = arith.constant 0 : i32
      %dma_start3A_95 = tpu.memref_slice %arg10[%dma_start3A_93, %dma_start3A_94] : memref<10240x128xf32, #tpu.memory_space<vmem_shared>> -> memref<10240x128xf32, #tpu.memory_space<vmem_shared>>
      tpu.enqueue_indirect_dma source(%arg8 : memref<128x128xf32, #tpu.memory_space<vmem>>) target(%dma_start3A_95 : memref<10240x128xf32, #tpu.memory_space<vmem_shared>>) offsets(%dma_start3A_92 : memref<128xi32, #tpu.memory_space<vmem>>) semaphore(%run_scoped3A_89 : memref<!tpu.dma_semaphore, #tpu.memory_space<semaphore_mem>>) {add = true}
      %dma_wait3A_96 = arith.constant 0 : i32
      %dma_wait3A_97 = tpu.memref_slice %arg7[%run_scoped3A_79, %dma_wait3A_96] : memref<40x128xi32, #tpu.memory_space<vmem>> -> memref<1x128xi32, #tpu.memory_space<vmem>>
      %dma_wait3A_98 = tpu.memref_squeeze %dma_wait3A_97 : memref<1x128xi32, #tpu.memory_space<vmem>> -> memref<128xi32, #tpu.memory_space<vmem>>
      %dma_wait3A_99 = arith.constant 0 : i32
      %dma_wait3A_100 = arith.constant 0 : i32
      %dma_wait3A_101 = tpu.memref_slice %arg10[%dma_wait3A_99, %dma_wait3A_100] : memref<10240x128xf32, #tpu.memory_space<vmem_shared>> -> memref<10240x128xf32, #tpu.memory_space<vmem_shared>>
      tpu.wait_indirect_dma semaphore(%run_scoped3A_89 : memref<!tpu.dma_semaphore, #tpu.memory_space<semaphore_mem>>) src(%arg8 : memref<128x128xf32, #tpu.memory_space<vmem>>) dst(%dma_wait3A_101 : memref<10240x128xf32, #tpu.memory_space<vmem_shared>>)
      tpu.yield
    }) : () -> ()
    %dma_wait3A_80 = arith.constant 0 : i32
    %dma_wait3A_81 = arith.constant 0 : i32
    %dma_wait3A_82 = tpu.memref_slice %arg6[%dma_wait3A_80, %dma_wait3A_81] : memref<40x128xi32, #tpu.memory_space<vmem>> -> memref<1x128xi32, #tpu.memory_space<vmem>>
    %dma_wait3A_83 = tpu.memref_squeeze %dma_wait3A_82 : memref<1x128xi32, #tpu.memory_space<vmem>> -> memref<128xi32, #tpu.memory_space<vmem>>
    %dma_wait3A_84 = arith.constant 0 : i32
    %dma_wait3A_85 = arith.constant 0 : i32
    %dma_wait3A_86 = tpu.memref_slice %arg2[%dma_wait3A_84, %dma_wait3A_85] : memref<10000x128xf32, #tpu.memory_space<hbm>> -> memref<10000x128xf32, #tpu.memory_space<hbm>>
    tpu.wait_indirect_dma semaphore(%arg12 : memref<!tpu.dma_semaphore, #tpu.memory_space<semaphore_mem>>) src(%dma_wait3A_86 : memref<10000x128xf32, #tpu.memory_space<hbm>>) dst(%arg9 : memref<128x128xf32, #tpu.memory_space<vmem>>)
    %run_scoped3A_87 = arith.constant 39 : i32
    "tpu.region"() ({
      %run_scoped3A_89 = tpu.sem_alloc : memref<!tpu.dma_semaphore, #tpu.memory_space<semaphore_mem>>
      %dma_start3A_90 = arith.constant 0 : i32
      %dma_start3A_91 = tpu.memref_slice %arg7[%run_scoped3A_87, %dma_start3A_90] : memref<40x128xi32, #tpu.memory_space<vmem>> -> memref<1x128xi32, #tpu.memory_space<vmem>>
      %dma_start3A_92 = tpu.memref_squeeze %dma_start3A_91 : memref<1x128xi32, #tpu.memory_space<vmem>> -> memref<128xi32, #tpu.memory_space<vmem>>
      %dma_start3A_93 = arith.constant 0 : i32
      %dma_start3A_94 = arith.constant 0 : i32
      %dma_start3A_95 = tpu.memref_slice %arg10[%dma_start3A_93, %dma_start3A_94] : memref<10240x128xf32, #tpu.memory_space<vmem_shared>> -> memref<10240x128xf32, #tpu.memory_space<vmem_shared>>
      tpu.enqueue_indirect_dma source(%arg9 : memref<128x128xf32, #tpu.memory_space<vmem>>) target(%dma_start3A_95 : memref<10240x128xf32, #tpu.memory_space<vmem_shared>>) offsets(%dma_start3A_92 : memref<128xi32, #tpu.memory_space<vmem>>) semaphore(%run_scoped3A_89 : memref<!tpu.dma_semaphore, #tpu.memory_space<semaphore_mem>>) {add = true}
      %dma_wait3A_96 = arith.constant 0 : i32
      %dma_wait3A_97 = tpu.memref_slice %arg7[%run_scoped3A_87, %dma_wait3A_96] : memref<40x128xi32, #tpu.memory_space<vmem>> -> memref<1x128xi32, #tpu.memory_space<vmem>>
      %dma_wait3A_98 = tpu.memref_squeeze %dma_wait3A_97 : memref<1x128xi32, #tpu.memory_space<vmem>> -> memref<128xi32, #tpu.memory_space<vmem>>
      %dma_wait3A_99 = arith.constant 0 : i32
      %dma_wait3A_100 = arith.constant 0 : i32
      %dma_wait3A_101 = tpu.memref_slice %arg10[%dma_wait3A_99, %dma_wait3A_100] : memref<10240x128xf32, #tpu.memory_space<vmem_shared>> -> memref<10240x128xf32, #tpu.memory_space<vmem_shared>>
      tpu.wait_indirect_dma semaphore(%run_scoped3A_89 : memref<!tpu.dma_semaphore, #tpu.memory_space<semaphore_mem>>) src(%arg9 : memref<128x128xf32, #tpu.memory_space<vmem>>) dst(%dma_wait3A_101 : memref<10240x128xf32, #tpu.memory_space<vmem_shared>>)
      tpu.yield
    }) : () -> ()
    %barrier3A_88 = arith.constant 0 : index
    tpu.barrier barrier_id(%barrier3A_88)
    "tpu.region"() ({
      %run_scoped3A_89 = tpu.sem_alloc : memref<!tpu.dma_semaphore, #tpu.memory_space<semaphore_mem>>
      %dma_start3A_90 = arith.constant 0 : i32
      %dma_start3A_91 = tpu.memref_slice %arg5[%arg0, %mul3A_8, %dma_start3A_90] : memref<2x10240x128xf32, #tpu.memory_space<hbm>> -> memref<1x640x128xf32, #tpu.memory_space<hbm>>
      %dma_start3A_92 = tpu.memref_squeeze %dma_start3A_91 : memref<1x640x128xf32, #tpu.memory_space<hbm>> -> memref<640x128xf32, #tpu.memory_space<hbm>>
      %dma_start3A_93 = arith.constant 0 : i32
      %dma_start3A_94 = tpu.memref_slice %arg10[%mul3A_8, %dma_start3A_93] : memref<10240x128xf32, #tpu.memory_space<vmem_shared>> -> memref<640x128xf32, #tpu.memory_space<vmem_shared>>
      tpu.enqueue_dma source(%dma_start3A_94 : memref<640x128xf32, #tpu.memory_space<vmem_shared>>) target(%dma_start3A_92 : memref<640x128xf32, #tpu.memory_space<hbm>>) target_semaphore(%run_scoped3A_89 : memref<!tpu.dma_semaphore, #tpu.memory_space<semaphore_mem>>)
      %dma_wait3A_95 = arith.constant 0 : i32
      %dma_wait3A_96 = tpu.memref_slice %arg5[%arg0, %mul3A_8, %dma_wait3A_95] : memref<2x10240x128xf32, #tpu.memory_space<hbm>> -> memref<1x640x128xf32, #tpu.memory_space<hbm>>
      %dma_wait3A_97 = tpu.memref_squeeze %dma_wait3A_96 : memref<1x640x128xf32, #tpu.memory_space<hbm>> -> memref<640x128xf32, #tpu.memory_space<hbm>>
      %dma_wait3A_98 = arith.constant 0 : i32
      %dma_wait3A_99 = tpu.memref_slice %arg10[%mul3A_8, %dma_wait3A_98] : memref<10240x128xf32, #tpu.memory_space<vmem_shared>> -> memref<640x128xf32, #tpu.memory_space<vmem_shared>>
      tpu.wait_dma2 semaphore(%run_scoped3A_89 : memref<!tpu.dma_semaphore, #tpu.memory_space<semaphore_mem>>) src(%dma_wait3A_99 : memref<640x128xf32, #tpu.memory_space<vmem_shared>>) dst(%dma_wait3A_97 : memref<640x128xf32, #tpu.memory_space<hbm>>)
      tpu.yield
    }) : () -> ()
    return
  }
}

#map = affine_map<(d0, d1) -> (0, 0)>
#map1 = affine_map<(d0, d1) -> (0, 0, 0, 0)>
#map2 = affine_map<(d0, d1) -> (0, 0, 0)>
module attributes {stable_mosaic.version = 14 : i64} {
  func.func @_sc_agg_body(%arg0: i32, %arg1: i32, %arg2: memref<10000x128xf32, #tpu.memory_space<hbm>>, %arg3: memref<32x2x40x128xi32, #tpu.memory_space<hbm>>, %arg4: memref<32x2x40x128xi32, #tpu.memory_space<hbm>>, %arg5: memref<2x10240x128xf32, #tpu.memory_space<hbm>>, %arg6: memref<40x128xi32, #tpu.memory_space<vmem>>, %arg7: memref<40x128xi32, #tpu.memory_space<vmem>>, %arg8: memref<128x128xf32, #tpu.memory_space<vmem>>, %arg9: memref<128x128xf32, #tpu.memory_space<vmem>>, %arg10: memref<10240x128xf32, #tpu.memory_space<vmem_shared>>, %arg11: memref<!tpu.dma_semaphore, #tpu.memory_space<semaphore_mem>>, %arg12: memref<!tpu.dma_semaphore, #tpu.memory_space<semaphore_mem>>) attributes {dimension_semantics = [#tpu.dimension_semantics<core_parallel>, #tpu.dimension_semantics<subcore_parallel>], iteration_bounds = array<i64: 2, 16>, scalar_prefetch = 0 : i64, scratch_operands = 7 : i64, tpu.core_type = #tpu.core_type<sc_vector_subcore>, window_params = [{transform_indices = #map}, {transform_indices = #map1}, {transform_indices = #map1}, {transform_indices = #map2}]} {
    %mul3A = arith.constant 16 : i32
    %mul3A_0 = arith.muli %arg0, %mul3A : i32
    %add3A = arith.addi %mul3A_0, %arg1 : i32
    %broadcast_in_dim3A = arith.constant 0.000000e+00 : f32
    %broadcast_in_dim3A_1 = vector.broadcast %broadcast_in_dim3A : f32 to vector<16xf32>
    %scan3A = arith.constant 0 : i32
    %scan3A_2 = arith.constant 0 : i32
    %scan3A_3 = arith.constant 128 : i32
    %scan3A_4 = arith.addi %scan3A_2, %scan3A_3 : i32
    %scan3A_5 = arith.constant 1 : i32
    scf.for %scan3A_89 = %scan3A_2 to %scan3A_4 step %scan3A_5  : i32 {
      %scan3A_90 = arith.constant 0 : i32
      %scan3A_91 = arith.constant 8 : i32
      %scan3A_92 = arith.addi %scan3A_90, %scan3A_91 : i32
      %scan3A_93 = arith.constant 1 : i32
      scf.for %scan3A_95 = %scan3A_90 to %scan3A_92 step %scan3A_93  : i32 {
        %mul3A_96 = arith.constant 16 : i32
        %mul3A_97 = arith.muli %scan3A_95, %mul3A_96 : i32
        %swap3A = arith.index_cast %scan3A_89 : i32 to index
        %swap3A_98 = arith.index_cast %mul3A_97 : i32 to index
        %swap3A_99 = tpu.vector_load %arg8[%swap3A, %swap3A_98] {strides = array<i32>} : memref<128x128xf32, #tpu.memory_space<vmem>>, vector<1x16xf32>,
        %swap3A_100 = vector.shape_cast %swap3A_99 : vector<1x16xf32> to vector<16xf32>
        %swap3A_101 = vector.shape_cast %broadcast_in_dim3A_1 : vector<16xf32> to vector<1x16xf32>
        tpu.vector_store %arg8[%swap3A, %swap3A_98], %swap3A_101 {strides = array<i32>} : memref<128x128xf32, #tpu.memory_space<vmem>>, vector<1x16xf32>,
      }
      %scan3A_94 = arith.constant 8 : i32
    }
    %scan3A_6 = arith.constant 128 : i32
    %mul3A_7 = arith.constant 640 : i32
    %mul3A_8 = arith.muli %arg1, %mul3A_7 : i32
    %scan3A_9 = arith.constant 0 : i32
    %scan3A_10 = arith.constant 0 : i32
    %scan3A_11 = arith.constant 5 : i32
    %scan3A_12 = arith.addi %scan3A_10, %scan3A_11 : i32
    %scan3A_13 = arith.constant 1 : i32
    scf.for %scan3A_89 = %scan3A_10 to %scan3A_12 step %scan3A_13  : i32 {
      %mul3A_90 = arith.constant 128 : i32
      %mul3A_91 = arith.muli %scan3A_89, %mul3A_90 : i32
      %add3A_92 = arith.addi %mul3A_8, %mul3A_91 : i32
      %multiple_of3A = tpu.assume_multiple %add3A_92, 8 : i32
      "tpu.region"() ({
        %run_scoped3A_93 = tpu.sem_alloc : memref<!tpu.dma_semaphore, #tpu.memory_space<semaphore_mem>>
        %dma_start3A_94 = arith.constant 0 : i32
        %dma_start3A_95 = tpu.memref_slice %arg10[%multiple_of3A, %dma_start3A_94] : memref<10240x128xf32, #tpu.memory_space<vmem_shared>> -> memref<128x128xf32, #tpu.memory_space<vmem_shared>>
        %dma_start3A_96 = arith.constant 0 : i32
        %dma_start3A_97 = tpu.memref_slice %arg10[%multiple_of3A, %dma_start3A_96] : memref<10240x128xf32, #tpu.memory_space<vmem_shared>> -> memref<128x128xf32, #tpu.memory_space<vmem_shared>>
        tpu.enqueue_dma source(%arg8 : memref<128x128xf32, #tpu.memory_space<vmem>>) target(%dma_start3A_97 : memref<128x128xf32, #tpu.memory_space<vmem_shared>>) target_semaphore(%run_scoped3A_93 : memref<!tpu.dma_semaphore, #tpu.memory_space<semaphore_mem>>)
        %dma_wait3A_98 = arith.constant 0 : i32
        %dma_wait3A_99 = tpu.memref_slice %arg10[%multiple_of3A, %dma_wait3A_98] : memref<10240x128xf32, #tpu.memory_space<vmem_shared>> -> memref<128x128xf32, #tpu.memory_space<vmem_shared>>
        %dma_wait3A_100 = arith.constant 0 : i32
        %dma_wait3A_101 = tpu.memref_slice %arg10[%multiple_of3A, %dma_wait3A_100] : memref<10240x128xf32, #tpu.memory_space<vmem_shared>> -> memref<128x128xf32, #tpu.memory_space<vmem_shared>>
        tpu.wait_dma2 semaphore(%run_scoped3A_93 : memref<!tpu.dma_semaphore, #tpu.memory_space<semaphore_mem>>) src(%arg8 : memref<128x128xf32, #tpu.memory_space<vmem>>) dst(%dma_wait3A_101 : memref<128x128xf32, #tpu.memory_space<vmem_shared>>)
        tpu.yield
      }) : () -> ()
    }
    %scan3A_14 = arith.constant 5 : i32
    %barrier3A = arith.constant 0 : index
    tpu.barrier barrier_id(%barrier3A)
    %run_scoped3A = arith.constant 0 : i32
    "tpu.region"() ({
      %run_scoped3A_89 = tpu.sem_alloc : memref<!tpu.dma_semaphore, #tpu.memory_space<semaphore_mem>>
      %dma_start3A_90 = arith.constant 0 : i32
      %dma_start3A_91 = arith.constant 0 : i32
      %dma_start3A_92 = tpu.memref_slice %arg3[%add3A, %run_scoped3A, %dma_start3A_90, %dma_start3A_91] : memref<32x2x40x128xi32, #tpu.memory_space<hbm>> -> memref<1x1x40x128xi32, #tpu.memory_space<hbm>>
      %dma_start3A_93 = tpu.memref_squeeze %dma_start3A_92 : memref<1x1x40x128xi32, #tpu.memory_space<hbm>> -> memref<40x128xi32, #tpu.memory_space<hbm>>
      %dma_start3A_94 = arith.constant 0 : i32
      %dma_start3A_95 = arith.constant 0 : i32
      %dma_start3A_96 = tpu.memref_slice %arg3[%add3A, %run_scoped3A, %dma_start3A_94, %dma_start3A_95] : memref<32x2x40x128xi32, #tpu.memory_space<hbm>> -> memref<1x1x40x128xi32, #tpu.memory_space<hbm>>
      %dma_start3A_97 = tpu.memref_squeeze %dma_start3A_96 : memref<1x1x40x128xi32, #tpu.memory_space<hbm>> -> memref<40x128xi32, #tpu.memory_space<hbm>>
      tpu.enqueue_dma source(%dma_start3A_97 : memref<40x128xi32, #tpu.memory_space<hbm>>) target(%arg6 : memref<40x128xi32, #tpu.memory_space<vmem>>) target_semaphore(%run_scoped3A_89 : memref<!tpu.dma_semaphore, #tpu.memory_space<semaphore_mem>>)
      %dma_wait3A_98 = arith.constant 0 : i32
      %dma_wait3A_99 = arith.constant 0 : i32
      %dma_wait3A_100 = tpu.memref_slice %arg3[%add3A, %run_scoped3A, %dma_wait3A_98, %dma_wait3A_99] : memref<32x2x40x128xi32, #tpu.memory_space<hbm>> -> memref<1x1x40x128xi32, #tpu.memory_space<hbm>>
      %dma_wait3A_101 = tpu.memref_squeeze %dma_wait3A_100 : memref<1x1x40x128xi32, #tpu.memory_space<hbm>> -> memref<40x128xi32, #tpu.memory_space<hbm>>
      %dma_wait3A_102 = arith.constant 0 : i32
      %dma_wait3A_103 = arith.constant 0 : i32
      %dma_wait3A_104 = tpu.memref_slice %arg3[%add3A, %run_scoped3A, %dma_wait3A_102, %dma_wait3A_103] : memref<32x2x40x128xi32, #tpu.memory_space<hbm>> -> memref<1x1x40x128xi32, #tpu.memory_space<hbm>>
      %dma_wait3A_105 = tpu.memref_squeeze %dma_wait3A_104 : memref<1x1x40x128xi32, #tpu.memory_space<hbm>> -> memref<40x128xi32, #tpu.memory_space<hbm>>
      tpu.wait_dma2 semaphore(%run_scoped3A_89 : memref<!tpu.dma_semaphore, #tpu.memory_space<semaphore_mem>>) src(%dma_wait3A_105 : memref<40x128xi32, #tpu.memory_space<hbm>>) dst(%arg6 : memref<40x128xi32, #tpu.memory_space<vmem>>)
      tpu.yield
    }) : () -> ()
    %run_scoped3A_15 = arith.constant 0 : i32
    "tpu.region"() ({
      %run_scoped3A_89 = tpu.sem_alloc : memref<!tpu.dma_semaphore, #tpu.memory_space<semaphore_mem>>
      %dma_start3A_90 = arith.constant 0 : i32
      %dma_start3A_91 = arith.constant 0 : i32
      %dma_start3A_92 = tpu.memref_slice %arg4[%add3A, %run_scoped3A_15, %dma_start3A_90, %dma_start3A_91] : memref<32x2x40x128xi32, #tpu.memory_space<hbm>> -> memref<1x1x40x128xi32, #tpu.memory_space<hbm>>
      %dma_start3A_93 = tpu.memref_squeeze %dma_start3A_92 : memref<1x1x40x128xi32, #tpu.memory_space<hbm>> -> memref<40x128xi32, #tpu.memory_space<hbm>>
      %dma_start3A_94 = arith.constant 0 : i32
      %dma_start3A_95 = arith.constant 0 : i32
      %dma_start3A_96 = tpu.memref_slice %arg4[%add3A, %run_scoped3A_15, %dma_start3A_94, %dma_start3A_95] : memref<32x2x40x128xi32, #tpu.memory_space<hbm>> -> memref<1x1x40x128xi32, #tpu.memory_space<hbm>>
      %dma_start3A_97 = tpu.memref_squeeze %dma_start3A_96 : memref<1x1x40x128xi32, #tpu.memory_space<hbm>> -> memref<40x128xi32, #tpu.memory_space<hbm>>
      tpu.enqueue_dma source(%dma_start3A_97 : memref<40x128xi32, #tpu.memory_space<hbm>>) target(%arg7 : memref<40x128xi32, #tpu.memory_space<vmem>>) target_semaphore(%run_scoped3A_89 : memref<!tpu.dma_semaphore, #tpu.memory_space<semaphore_mem>>)
      %dma_wait3A_98 = arith.constant 0 : i32
      %dma_wait3A_99 = arith.constant 0 : i32
      %dma_wait3A_100 = tpu.memref_slice %arg4[%add3A, %run_scoped3A_15, %dma_wait3A_98, %dma_wait3A_99] : memref<32x2x40x128xi32, #tpu.memory_space<hbm>> -> memref<1x1x40x128xi32, #tpu.memory_space<hbm>>
      %dma_wait3A_101 = tpu.memref_squeeze %dma_wait3A_100 : memref<1x1x40x128xi32, #tpu.memory_space<hbm>> -> memref<40x128xi32, #tpu.memory_space<hbm>>
      %dma_wait3A_102 = arith.constant 0 : i32
      %dma_wait3A_103 = arith.constant 0 : i32
      %dma_wait3A_104 = tpu.memref_slice %arg4[%add3A, %run_scoped3A_15, %dma_wait3A_102, %dma_wait3A_103] : memref<32x2x40x128xi32, #tpu.memory_space<hbm>> -> memref<1x1x40x128xi32, #tpu.memory_space<hbm>>
      %dma_wait3A_105 = tpu.memref_squeeze %dma_wait3A_104 : memref<1x1x40x128xi32, #tpu.memory_space<hbm>> -> memref<40x128xi32, #tpu.memory_space<hbm>>
      tpu.wait_dma2 semaphore(%run_scoped3A_89 : memref<!tpu.dma_semaphore, #tpu.memory_space<semaphore_mem>>) src(%dma_wait3A_105 : memref<40x128xi32, #tpu.memory_space<hbm>>) dst(%arg7 : memref<40x128xi32, #tpu.memory_space<vmem>>)
      tpu.yield
    }) : () -> ()
    %dma_start3A = arith.constant 0 : i32
    %dma_start3A_16 = arith.constant 0 : i32
    %dma_start3A_17 = tpu.memref_slice %arg6[%dma_start3A, %dma_start3A_16] : memref<40x128xi32, #tpu.memory_space<vmem>> -> memref<1x128xi32, #tpu.memory_space<vmem>>
    %dma_start3A_18 = tpu.memref_squeeze %dma_start3A_17 : memref<1x128xi32, #tpu.memory_space<vmem>> -> memref<128xi32, #tpu.memory_space<vmem>>
    %dma_start3A_19 = arith.constant 0 : i32
    %dma_start3A_20 = arith.constant 0 : i32
    %dma_start3A_21 = tpu.memref_slice %arg2[%dma_start3A_19, %dma_start3A_20] : memref<10000x128xf32, #tpu.memory_space<hbm>> -> memref<10000x128xf32, #tpu.memory_space<hbm>>
    tpu.enqueue_indirect_dma source(%dma_start3A_21 : memref<10000x128xf32, #tpu.memory_space<hbm>>) target(%arg8 : memref<128x128xf32, #tpu.memory_space<vmem>>) offsets(%dma_start3A_18 : memref<128xi32, #tpu.memory_space<vmem>>) semaphore(%arg11 : memref<!tpu.dma_semaphore, #tpu.memory_space<semaphore_mem>>)
    %scan3A_22 = arith.constant 0 : i32
    %scan3A_23 = arith.constant 0 : i32
    %scan3A_24 = arith.constant 19 : i32
    %scan3A_25 = arith.addi %scan3A_23, %scan3A_24 : i32
    %scan3A_26 = arith.constant 1 : i32
    scf.for %scan3A_89 = %scan3A_23 to %scan3A_25 step %scan3A_26  : i32 {
      %mul3A_90 = arith.constant 2 : i32
      %mul3A_91 = arith.muli %mul3A_90, %scan3A_89 : i32
      %add3A_92 = arith.constant 1 : i32
      %add3A_93 = arith.addi %mul3A_91, %add3A_92 : i32
      %dma_start3A_94 = arith.constant 0 : i32
      %dma_start3A_95 = tpu.memref_slice %arg6[%add3A_93, %dma_start3A_94] : memref<40x128xi32, #tpu.memory_space<vmem>> -> memref<1x128xi32, #tpu.memory_space<vmem>>
      %dma_start3A_96 = tpu.memref_squeeze %dma_start3A_95 : memref<1x128xi32, #tpu.memory_space<vmem>> -> memref<128xi32, #tpu.memory_space<vmem>>
      %dma_start3A_97 = arith.constant 0 : i32
      %dma_start3A_98 = arith.constant 0 : i32
      %dma_start3A_99 = tpu.memref_slice %arg2[%dma_start3A_97, %dma_start3A_98] : memref<10000x128xf32, #tpu.memory_space<hbm>> -> memref<10000x128xf32, #tpu.memory_space<hbm>>
      tpu.enqueue_indirect_dma source(%dma_start3A_99 : memref<10000x128xf32, #tpu.memory_space<hbm>>) target(%arg9 : memref<128x128xf32, #tpu.memory_space<vmem>>) offsets(%dma_start3A_96 : memref<128xi32, #tpu.memory_space<vmem>>) semaphore(%arg12 : memref<!tpu.dma_semaphore, #tpu.memory_space<semaphore_mem>>)
      %dma_wait3A_100 = arith.constant 0 : i32
      %dma_wait3A_101 = arith.constant 0 : i32
      %dma_wait3A_102 = tpu.memref_slice %arg6[%dma_wait3A_100, %dma_wait3A_101] : memref<40x128xi32, #tpu.memory_space<vmem>> -> memref<1x128xi32, #tpu.memory_space<vmem>>
      %dma_wait3A_103 = tpu.memref_squeeze %dma_wait3A_102 : memref<1x128xi32, #tpu.memory_space<vmem>> -> memref<128xi32, #tpu.memory_space<vmem>>
      %dma_wait3A_104 = arith.constant 0 : i32
      %dma_wait3A_105 = arith.constant 0 : i32
      %dma_wait3A_106 = tpu.memref_slice %arg2[%dma_wait3A_104, %dma_wait3A_105] : memref<10000x128xf32, #tpu.memory_space<hbm>> -> memref<10000x128xf32, #tpu.memory_space<hbm>>
      tpu.wait_indirect_dma semaphore(%arg11 : memref<!tpu.dma_semaphore, #tpu.memory_space<semaphore_mem>>) src(%dma_wait3A_106 : memref<10000x128xf32, #tpu.memory_space<hbm>>) dst(%arg8 : memref<128x128xf32, #tpu.memory_space<vmem>>)
      "tpu.region"() ({
        %run_scoped3A_124 = tpu.sem_alloc : memref<!tpu.dma_semaphore, #tpu.memory_space<semaphore_mem>>
        %dma_start3A_125 = arith.constant 0 : i32
        %dma_start3A_126 = tpu.memref_slice %arg7[%mul3A_91, %dma_start3A_125] : memref<40x128xi32, #tpu.memory_space<vmem>> -> memref<1x128xi32, #tpu.memory_space<vmem>>
        %dma_start3A_127 = tpu.memref_squeeze %dma_start3A_126 : memref<1x128xi32, #tpu.memory_space<vmem>> -> memref<128xi32, #tpu.memory_space<vmem>>
        %dma_start3A_128 = arith.constant 0 : i32
        %dma_start3A_129 = arith.constant 0 : i32
        %dma_start3A_130 = tpu.memref_slice %arg10[%dma_start3A_128, %dma_start3A_129] : memref<10240x128xf32, #tpu.memory_space<vmem_shared>> -> memref<10240x128xf32, #tpu.memory_space<vmem_shared>>
        tpu.enqueue_indirect_dma source(%arg8 : memref<128x128xf32, #tpu.memory_space<vmem>>) target(%dma_start3A_130 : memref<10240x128xf32, #tpu.memory_space<vmem_shared>>) offsets(%dma_start3A_127 : memref<128xi32, #tpu.memory_space<vmem>>) semaphore(%run_scoped3A_124 : memref<!tpu.dma_semaphore, #tpu.memory_space<semaphore_mem>>) {add = true}
        %dma_wait3A_131 = arith.constant 0 : i32
        %dma_wait3A_132 = tpu.memref_slice %arg7[%mul3A_91, %dma_wait3A_131] : memref<40x128xi32, #tpu.memory_space<vmem>> -> memref<1x128xi32, #tpu.memory_space<vmem>>
        %dma_wait3A_133 = tpu.memref_squeeze %dma_wait3A_132 : memref<1x128xi32, #tpu.memory_space<vmem>> -> memref<128xi32, #tpu.memory_space<vmem>>
        %dma_wait3A_134 = arith.constant 0 : i32
        %dma_wait3A_135 = arith.constant 0 : i32
        %dma_wait3A_136 = tpu.memref_slice %arg10[%dma_wait3A_134, %dma_wait3A_135] : memref<10240x128xf32, #tpu.memory_space<vmem_shared>> -> memref<10240x128xf32, #tpu.memory_space<vmem_shared>>
        tpu.wait_indirect_dma semaphore(%run_scoped3A_124 : memref<!tpu.dma_semaphore, #tpu.memory_space<semaphore_mem>>) src(%arg8 : memref<128x128xf32, #tpu.memory_space<vmem>>) dst(%dma_wait3A_136 : memref<10240x128xf32, #tpu.memory_space<vmem_shared>>)
        tpu.yield
      }) : () -> ()
      %add3A_107 = arith.constant 2 : i32
      %add3A_108 = arith.addi %mul3A_91, %add3A_107 : i32
      %dma_start3A_109 = arith.constant 0 : i32
      %dma_start3A_110 = tpu.memref_slice %arg6[%add3A_108, %dma_start3A_109] : memref<40x128xi32, #tpu.memory_space<vmem>> -> memref<1x128xi32, #tpu.memory_space<vmem>>
      %dma_start3A_111 = tpu.memref_squeeze %dma_start3A_110 : memref<1x128xi32, #tpu.memory_space<vmem>> -> memref<128xi32, #tpu.memory_space<vmem>>
      %dma_start3A_112 = arith.constant 0 : i32
      %dma_start3A_113 = arith.constant 0 : i32
      %dma_start3A_114 = tpu.memref_slice %arg2[%dma_start3A_112, %dma_start3A_113] : memref<10000x128xf32, #tpu.memory_space<hbm>> -> memref<10000x128xf32, #tpu.memory_space<hbm>>
      tpu.enqueue_indirect_dma source(%dma_start3A_114 : memref<10000x128xf32, #tpu.memory_space<hbm>>) target(%arg8 : memref<128x128xf32, #tpu.memory_space<vmem>>) offsets(%dma_start3A_111 : memref<128xi32, #tpu.memory_space<vmem>>) semaphore(%arg11 : memref<!tpu.dma_semaphore, #tpu.memory_space<semaphore_mem>>)
      %dma_wait3A_115 = arith.constant 0 : i32
      %dma_wait3A_116 = arith.constant 0 : i32
      %dma_wait3A_117 = tpu.memref_slice %arg6[%dma_wait3A_115, %dma_wait3A_116] : memref<40x128xi32, #tpu.memory_space<vmem>> -> memref<1x128xi32, #tpu.memory_space<vmem>>
      %dma_wait3A_118 = tpu.memref_squeeze %dma_wait3A_117 : memref<1x128xi32, #tpu.memory_space<vmem>> -> memref<128xi32, #tpu.memory_space<vmem>>
      %dma_wait3A_119 = arith.constant 0 : i32
      %dma_wait3A_120 = arith.constant 0 : i32
      %dma_wait3A_121 = tpu.memref_slice %arg2[%dma_wait3A_119, %dma_wait3A_120] : memref<10000x128xf32, #tpu.memory_space<hbm>> -> memref<10000x128xf32, #tpu.memory_space<hbm>>
      tpu.wait_indirect_dma semaphore(%arg12 : memref<!tpu.dma_semaphore, #tpu.memory_space<semaphore_mem>>) src(%dma_wait3A_121 : memref<10000x128xf32, #tpu.memory_space<hbm>>) dst(%arg9 : memref<128x128xf32, #tpu.memory_space<vmem>>)
      %add3A_122 = arith.constant 1 : i32
      %add3A_123 = arith.addi %mul3A_91, %add3A_122 : i32
      "tpu.region"() ({
        %run_scoped3A_124 = tpu.sem_alloc : memref<!tpu.dma_semaphore, #tpu.memory_space<semaphore_mem>>
        %dma_start3A_125 = arith.constant 0 : i32
        %dma_start3A_126 = tpu.memref_slice %arg7[%add3A_123, %dma_start3A_125] : memref<40x128xi32, #tpu.memory_space<vmem>> -> memref<1x128xi32, #tpu.memory_space<vmem>>
        %dma_start3A_127 = tpu.memref_squeeze %dma_start3A_126 : memref<1x128xi32, #tpu.memory_space<vmem>> -> memref<128xi32, #tpu.memory_space<vmem>>
        %dma_start3A_128 = arith.constant 0 : i32
        %dma_start3A_129 = arith.constant 0 : i32
        %dma_start3A_130 = tpu.memref_slice %arg10[%dma_start3A_128, %dma_start3A_129] : memref<10240x128xf32, #tpu.memory_space<vmem_shared>> -> memref<10240x128xf32, #tpu.memory_space<vmem_shared>>
        tpu.enqueue_indirect_dma source(%arg9 : memref<128x128xf32, #tpu.memory_space<vmem>>) target(%dma_start3A_130 : memref<10240x128xf32, #tpu.memory_space<vmem_shared>>) offsets(%dma_start3A_127 : memref<128xi32, #tpu.memory_space<vmem>>) semaphore(%run_scoped3A_124 : memref<!tpu.dma_semaphore, #tpu.memory_space<semaphore_mem>>) {add = true}
        %dma_wait3A_131 = arith.constant 0 : i32
        %dma_wait3A_132 = tpu.memref_slice %arg7[%add3A_123, %dma_wait3A_131] : memref<40x128xi32, #tpu.memory_space<vmem>> -> memref<1x128xi32, #tpu.memory_space<vmem>>
        %dma_wait3A_133 = tpu.memref_squeeze %dma_wait3A_132 : memref<1x128xi32, #tpu.memory_space<vmem>> -> memref<128xi32, #tpu.memory_space<vmem>>
        %dma_wait3A_134 = arith.constant 0 : i32
        %dma_wait3A_135 = arith.constant 0 : i32
        %dma_wait3A_136 = tpu.memref_slice %arg10[%dma_wait3A_134, %dma_wait3A_135] : memref<10240x128xf32, #tpu.memory_space<vmem_shared>> -> memref<10240x128xf32, #tpu.memory_space<vmem_shared>>
        tpu.wait_indirect_dma semaphore(%run_scoped3A_124 : memref<!tpu.dma_semaphore, #tpu.memory_space<semaphore_mem>>) src(%arg9 : memref<128x128xf32, #tpu.memory_space<vmem>>) dst(%dma_wait3A_136 : memref<10240x128xf32, #tpu.memory_space<vmem_shared>>)
        tpu.yield
      }) : () -> ()
    }
    %scan3A_27 = arith.constant 19 : i32
    %dma_start3A_28 = arith.constant 39 : i32
    %dma_start3A_29 = arith.constant 0 : i32
    %dma_start3A_30 = tpu.memref_slice %arg6[%dma_start3A_28, %dma_start3A_29] : memref<40x128xi32, #tpu.memory_space<vmem>> -> memref<1x128xi32, #tpu.memory_space<vmem>>
    %dma_start3A_31 = tpu.memref_squeeze %dma_start3A_30 : memref<1x128xi32, #tpu.memory_space<vmem>> -> memref<128xi32, #tpu.memory_space<vmem>>
    %dma_start3A_32 = arith.constant 0 : i32
    %dma_start3A_33 = arith.constant 0 : i32
    %dma_start3A_34 = tpu.memref_slice %arg2[%dma_start3A_32, %dma_start3A_33] : memref<10000x128xf32, #tpu.memory_space<hbm>> -> memref<10000x128xf32, #tpu.memory_space<hbm>>
    tpu.enqueue_indirect_dma source(%dma_start3A_34 : memref<10000x128xf32, #tpu.memory_space<hbm>>) target(%arg9 : memref<128x128xf32, #tpu.memory_space<vmem>>) offsets(%dma_start3A_31 : memref<128xi32, #tpu.memory_space<vmem>>) semaphore(%arg12 : memref<!tpu.dma_semaphore, #tpu.memory_space<semaphore_mem>>)
    %dma_wait3A = arith.constant 0 : i32
    %dma_wait3A_35 = arith.constant 0 : i32
    %dma_wait3A_36 = tpu.memref_slice %arg6[%dma_wait3A, %dma_wait3A_35] : memref<40x128xi32, #tpu.memory_space<vmem>> -> memref<1x128xi32, #tpu.memory_space<vmem>>
    %dma_wait3A_37 = tpu.memref_squeeze %dma_wait3A_36 : memref<1x128xi32, #tpu.memory_space<vmem>> -> memref<128xi32, #tpu.memory_space<vmem>>
    %dma_wait3A_38 = arith.constant 0 : i32
    %dma_wait3A_39 = arith.constant 0 : i32
    %dma_wait3A_40 = tpu.memref_slice %arg2[%dma_wait3A_38, %dma_wait3A_39] : memref<10000x128xf32, #tpu.memory_space<hbm>> -> memref<10000x128xf32, #tpu.memory_space<hbm>>
    tpu.wait_indirect_dma semaphore(%arg11 : memref<!tpu.dma_semaphore, #tpu.memory_space<semaphore_mem>>) src(%dma_wait3A_40 : memref<10000x128xf32, #tpu.memory_space<hbm>>) dst(%arg8 : memref<128x128xf32, #tpu.memory_space<vmem>>)
    %run_scoped3A_41 = arith.constant 38 : i32
    "tpu.region"() ({
      %run_scoped3A_89 = tpu.sem_alloc : memref<!tpu.dma_semaphore, #tpu.memory_space<semaphore_mem>>
      %dma_start3A_90 = arith.constant 0 : i32
      %dma_start3A_91 = tpu.memref_slice %arg7[%run_scoped3A_41, %dma_start3A_90] : memref<40x128xi32, #tpu.memory_space<vmem>> -> memref<1x128xi32, #tpu.memory_space<vmem>>
      %dma_start3A_92 = tpu.memref_squeeze %dma_start3A_91 : memref<1x128xi32, #tpu.memory_space<vmem>> -> memref<128xi32, #tpu.memory_space<vmem>>
      %dma_start3A_93 = arith.constant 0 : i32
      %dma_start3A_94 = arith.constant 0 : i32
      %dma_start3A_95 = tpu.memref_slice %arg10[%dma_start3A_93, %dma_start3A_94] : memref<10240x128xf32, #tpu.memory_space<vmem_shared>> -> memref<10240x128xf32, #tpu.memory_space<vmem_shared>>
      tpu.enqueue_indirect_dma source(%arg8 : memref<128x128xf32, #tpu.memory_space<vmem>>) target(%dma_start3A_95 : memref<10240x128xf32, #tpu.memory_space<vmem_shared>>) offsets(%dma_start3A_92 : memref<128xi32, #tpu.memory_space<vmem>>) semaphore(%run_scoped3A_89 : memref<!tpu.dma_semaphore, #tpu.memory_space<semaphore_mem>>) {add = true}
      %dma_wait3A_96 = arith.constant 0 : i32
      %dma_wait3A_97 = tpu.memref_slice %arg7[%run_scoped3A_41, %dma_wait3A_96] : memref<40x128xi32, #tpu.memory_space<vmem>> -> memref<1x128xi32, #tpu.memory_space<vmem>>
      %dma_wait3A_98 = tpu.memref_squeeze %dma_wait3A_97 : memref<1x128xi32, #tpu.memory_space<vmem>> -> memref<128xi32, #tpu.memory_space<vmem>>
      %dma_wait3A_99 = arith.constant 0 : i32
      %dma_wait3A_100 = arith.constant 0 : i32
      %dma_wait3A_101 = tpu.memref_slice %arg10[%dma_wait3A_99, %dma_wait3A_100] : memref<10240x128xf32, #tpu.memory_space<vmem_shared>> -> memref<10240x128xf32, #tpu.memory_space<vmem_shared>>
      tpu.wait_indirect_dma semaphore(%run_scoped3A_89 : memref<!tpu.dma_semaphore, #tpu.memory_space<semaphore_mem>>) src(%arg8 : memref<128x128xf32, #tpu.memory_space<vmem>>) dst(%dma_wait3A_101 : memref<10240x128xf32, #tpu.memory_space<vmem_shared>>)
      tpu.yield
    }) : () -> ()
    %dma_wait3A_42 = arith.constant 0 : i32
    %dma_wait3A_43 = arith.constant 0 : i32
    %dma_wait3A_44 = tpu.memref_slice %arg6[%dma_wait3A_42, %dma_wait3A_43] : memref<40x128xi32, #tpu.memory_space<vmem>> -> memref<1x128xi32, #tpu.memory_space<vmem>>
    %dma_wait3A_45 = tpu.memref_squeeze %dma_wait3A_44 : memref<1x128xi32, #tpu.memory_space<vmem>> -> memref<128xi32, #tpu.memory_space<vmem>>
    %dma_wait3A_46 = arith.constant 0 : i32
    %dma_wait3A_47 = arith.constant 0 : i32
    %dma_wait3A_48 = tpu.memref_slice %arg2[%dma_wait3A_46, %dma_wait3A_47] : memref<10000x128xf32, #tpu.memory_space<hbm>> -> memref<10000x128xf32, #tpu.memory_space<hbm>>
    tpu.wait_indirect_dma semaphore(%arg12 : memref<!tpu.dma_semaphore, #tpu.memory_space<semaphore_mem>>) src(%dma_wait3A_48 : memref<10000x128xf32, #tpu.memory_space<hbm>>) dst(%arg9 : memref<128x128xf32, #tpu.memory_space<vmem>>)
    %run_scoped3A_49 = arith.constant 39 : i32
    "tpu.region"() ({
      %run_scoped3A_89 = tpu.sem_alloc : memref<!tpu.dma_semaphore, #tpu.memory_space<semaphore_mem>>
      %dma_start3A_90 = arith.constant 0 : i32
      %dma_start3A_91 = tpu.memref_slice %arg7[%run_scoped3A_49, %dma_start3A_90] : memref<40x128xi32, #tpu.memory_space<vmem>> -> memref<1x128xi32, #tpu.memory_space<vmem>>
      %dma_start3A_92 = tpu.memref_squeeze %dma_start3A_91 : memref<1x128xi32, #tpu.memory_space<vmem>> -> memref<128xi32, #tpu.memory_space<vmem>>
      %dma_start3A_93 = arith.constant 0 : i32
      %dma_start3A_94 = arith.constant 0 : i32
      %dma_start3A_95 = tpu.memref_slice %arg10[%dma_start3A_93, %dma_start3A_94] : memref<10240x128xf32, #tpu.memory_space<vmem_shared>> -> memref<10240x128xf32, #tpu.memory_space<vmem_shared>>
      tpu.enqueue_indirect_dma source(%arg9 : memref<128x128xf32, #tpu.memory_space<vmem>>) target(%dma_start3A_95 : memref<10240x128xf32, #tpu.memory_space<vmem_shared>>) offsets(%dma_start3A_92 : memref<128xi32, #tpu.memory_space<vmem>>) semaphore(%run_scoped3A_89 : memref<!tpu.dma_semaphore, #tpu.memory_space<semaphore_mem>>) {add = true}
      %dma_wait3A_96 = arith.constant 0 : i32
      %dma_wait3A_97 = tpu.memref_slice %arg7[%run_scoped3A_49, %dma_wait3A_96] : memref<40x128xi32, #tpu.memory_space<vmem>> -> memref<1x128xi32, #tpu.memory_space<vmem>>
      %dma_wait3A_98 = tpu.memref_squeeze %dma_wait3A_97 : memref<1x128xi32, #tpu.memory_space<vmem>> -> memref<128xi32, #tpu.memory_space<vmem>>
      %dma_wait3A_99 = arith.constant 0 : i32
      %dma_wait3A_100 = arith.constant 0 : i32
      %dma_wait3A_101 = tpu.memref_slice %arg10[%dma_wait3A_99, %dma_wait3A_100] : memref<10240x128xf32, #tpu.memory_space<vmem_shared>> -> memref<10240x128xf32, #tpu.memory_space<vmem_shared>>
      tpu.wait_indirect_dma semaphore(%run_scoped3A_89 : memref<!tpu.dma_semaphore, #tpu.memory_space<semaphore_mem>>) src(%arg9 : memref<128x128xf32, #tpu.memory_space<vmem>>) dst(%dma_wait3A_101 : memref<10240x128xf32, #tpu.memory_space<vmem_shared>>)
      tpu.yield
    }) : () -> ()
    %run_scoped3A_50 = arith.constant 1 : i32
    "tpu.region"() ({
      %run_scoped3A_89 = tpu.sem_alloc : memref<!tpu.dma_semaphore, #tpu.memory_space<semaphore_mem>>
      %dma_start3A_90 = arith.constant 0 : i32
      %dma_start3A_91 = arith.constant 0 : i32
      %dma_start3A_92 = tpu.memref_slice %arg3[%add3A, %run_scoped3A_50, %dma_start3A_90, %dma_start3A_91] : memref<32x2x40x128xi32, #tpu.memory_space<hbm>> -> memref<1x1x40x128xi32, #tpu.memory_space<hbm>>
      %dma_start3A_93 = tpu.memref_squeeze %dma_start3A_92 : memref<1x1x40x128xi32, #tpu.memory_space<hbm>> -> memref<40x128xi32, #tpu.memory_space<hbm>>
      %dma_start3A_94 = arith.constant 0 : i32
      %dma_start3A_95 = arith.constant 0 : i32
      %dma_start3A_96 = tpu.memref_slice %arg3[%add3A, %run_scoped3A_50, %dma_start3A_94, %dma_start3A_95] : memref<32x2x40x128xi32, #tpu.memory_space<hbm>> -> memref<1x1x40x128xi32, #tpu.memory_space<hbm>>
      %dma_start3A_97 = tpu.memref_squeeze %dma_start3A_96 : memref<1x1x40x128xi32, #tpu.memory_space<hbm>> -> memref<40x128xi32, #tpu.memory_space<hbm>>
      tpu.enqueue_dma source(%dma_start3A_97 : memref<40x128xi32, #tpu.memory_space<hbm>>) target(%arg6 : memref<40x128xi32, #tpu.memory_space<vmem>>) target_semaphore(%run_scoped3A_89 : memref<!tpu.dma_semaphore, #tpu.memory_space<semaphore_mem>>)
      %dma_wait3A_98 = arith.constant 0 : i32
      %dma_wait3A_99 = arith.constant 0 : i32
      %dma_wait3A_100 = tpu.memref_slice %arg3[%add3A, %run_scoped3A_50, %dma_wait3A_98, %dma_wait3A_99] : memref<32x2x40x128xi32, #tpu.memory_space<hbm>> -> memref<1x1x40x128xi32, #tpu.memory_space<hbm>>
      %dma_wait3A_101 = tpu.memref_squeeze %dma_wait3A_100 : memref<1x1x40x128xi32, #tpu.memory_space<hbm>> -> memref<40x128xi32, #tpu.memory_space<hbm>>
      %dma_wait3A_102 = arith.constant 0 : i32
      %dma_wait3A_103 = arith.constant 0 : i32
      %dma_wait3A_104 = tpu.memref_slice %arg3[%add3A, %run_scoped3A_50, %dma_wait3A_102, %dma_wait3A_103] : memref<32x2x40x128xi32, #tpu.memory_space<hbm>> -> memref<1x1x40x128xi32, #tpu.memory_space<hbm>>
      %dma_wait3A_105 = tpu.memref_squeeze %dma_wait3A_104 : memref<1x1x40x128xi32, #tpu.memory_space<hbm>> -> memref<40x128xi32, #tpu.memory_space<hbm>>
      tpu.wait_dma2 semaphore(%run_scoped3A_89 : memref<!tpu.dma_semaphore, #tpu.memory_space<semaphore_mem>>) src(%dma_wait3A_105 : memref<40x128xi32, #tpu.memory_space<hbm>>) dst(%arg6 : memref<40x128xi32, #tpu.memory_space<vmem>>)
      tpu.yield
    }) : () -> ()
    %run_scoped3A_51 = arith.constant 1 : i32
    "tpu.region"() ({
      %run_scoped3A_89 = tpu.sem_alloc : memref<!tpu.dma_semaphore, #tpu.memory_space<semaphore_mem>>
      %dma_start3A_90 = arith.constant 0 : i32
      %dma_start3A_91 = arith.constant 0 : i32
      %dma_start3A_92 = tpu.memref_slice %arg4[%add3A, %run_scoped3A_51, %dma_start3A_90, %dma_start3A_91] : memref<32x2x40x128xi32, #tpu.memory_space<hbm>> -> memref<1x1x40x128xi32, #tpu.memory_space<hbm>>
      %dma_start3A_93 = tpu.memref_squeeze %dma_start3A_92 : memref<1x1x40x128xi32, #tpu.memory_space<hbm>> -> memref<40x128xi32, #tpu.memory_space<hbm>>
      %dma_start3A_94 = arith.constant 0 : i32
      %dma_start3A_95 = arith.constant 0 : i32
      %dma_start3A_96 = tpu.memref_slice %arg4[%add3A, %run_scoped3A_51, %dma_start3A_94, %dma_start3A_95] : memref<32x2x40x128xi32, #tpu.memory_space<hbm>> -> memref<1x1x40x128xi32, #tpu.memory_space<hbm>>
      %dma_start3A_97 = tpu.memref_squeeze %dma_start3A_96 : memref<1x1x40x128xi32, #tpu.memory_space<hbm>> -> memref<40x128xi32, #tpu.memory_space<hbm>>
      tpu.enqueue_dma source(%dma_start3A_97 : memref<40x128xi32, #tpu.memory_space<hbm>>) target(%arg7 : memref<40x128xi32, #tpu.memory_space<vmem>>) target_semaphore(%run_scoped3A_89 : memref<!tpu.dma_semaphore, #tpu.memory_space<semaphore_mem>>)
      %dma_wait3A_98 = arith.constant 0 : i32
      %dma_wait3A_99 = arith.constant 0 : i32
      %dma_wait3A_100 = tpu.memref_slice %arg4[%add3A, %run_scoped3A_51, %dma_wait3A_98, %dma_wait3A_99] : memref<32x2x40x128xi32, #tpu.memory_space<hbm>> -> memref<1x1x40x128xi32, #tpu.memory_space<hbm>>
      %dma_wait3A_101 = tpu.memref_squeeze %dma_wait3A_100 : memref<1x1x40x128xi32, #tpu.memory_space<hbm>> -> memref<40x128xi32, #tpu.memory_space<hbm>>
      %dma_wait3A_102 = arith.constant 0 : i32
      %dma_wait3A_103 = arith.constant 0 : i32
      %dma_wait3A_104 = tpu.memref_slice %arg4[%add3A, %run_scoped3A_51, %dma_wait3A_102, %dma_wait3A_103] : memref<32x2x40x128xi32, #tpu.memory_space<hbm>> -> memref<1x1x40x128xi32, #tpu.memory_space<hbm>>
      %dma_wait3A_105 = tpu.memref_squeeze %dma_wait3A_104 : memref<1x1x40x128xi32, #tpu.memory_space<hbm>> -> memref<40x128xi32, #tpu.memory_space<hbm>>
      tpu.wait_dma2 semaphore(%run_scoped3A_89 : memref<!tpu.dma_semaphore, #tpu.memory_space<semaphore_mem>>) src(%dma_wait3A_105 : memref<40x128xi32, #tpu.memory_space<hbm>>) dst(%arg7 : memref<40x128xi32, #tpu.memory_space<vmem>>)
      tpu.yield
    }) : () -> ()
    %dma_start3A_52 = arith.constant 0 : i32
    %dma_start3A_53 = arith.constant 0 : i32
    %dma_start3A_54 = tpu.memref_slice %arg6[%dma_start3A_52, %dma_start3A_53] : memref<40x128xi32, #tpu.memory_space<vmem>> -> memref<1x128xi32, #tpu.memory_space<vmem>>
    %dma_start3A_55 = tpu.memref_squeeze %dma_start3A_54 : memref<1x128xi32, #tpu.memory_space<vmem>> -> memref<128xi32, #tpu.memory_space<vmem>>
    %dma_start3A_56 = arith.constant 0 : i32
    %dma_start3A_57 = arith.constant 0 : i32
    %dma_start3A_58 = tpu.memref_slice %arg2[%dma_start3A_56, %dma_start3A_57] : memref<10000x128xf32, #tpu.memory_space<hbm>> -> memref<10000x128xf32, #tpu.memory_space<hbm>>
    tpu.enqueue_indirect_dma source(%dma_start3A_58 : memref<10000x128xf32, #tpu.memory_space<hbm>>) target(%arg8 : memref<128x128xf32, #tpu.memory_space<vmem>>) offsets(%dma_start3A_55 : memref<128xi32, #tpu.memory_space<vmem>>) semaphore(%arg11 : memref<!tpu.dma_semaphore, #tpu.memory_space<semaphore_mem>>)
    %scan3A_59 = arith.constant 0 : i32
    %scan3A_60 = arith.constant 0 : i32
    %scan3A_61 = arith.constant 19 : i32
    %scan3A_62 = arith.addi %scan3A_60, %scan3A_61 : i32
    %scan3A_63 = arith.constant 1 : i32
    scf.for %scan3A_89 = %scan3A_60 to %scan3A_62 step %scan3A_63  : i32 {
      %mul3A_90 = arith.constant 2 : i32
      %mul3A_91 = arith.muli %mul3A_90, %scan3A_89 : i32
      %add3A_92 = arith.constant 1 : i32
      %add3A_93 = arith.addi %mul3A_91, %add3A_92 : i32
      %dma_start3A_94 = arith.constant 0 : i32
      %dma_start3A_95 = tpu.memref_slice %arg6[%add3A_93, %dma_start3A_94] : memref<40x128xi32, #tpu.memory_space<vmem>> -> memref<1x128xi32, #tpu.memory_space<vmem>>
      %dma_start3A_96 = tpu.memref_squeeze %dma_start3A_95 : memref<1x128xi32, #tpu.memory_space<vmem>> -> memref<128xi32, #tpu.memory_space<vmem>>
      %dma_start3A_97 = arith.constant 0 : i32
      %dma_start3A_98 = arith.constant 0 : i32
      %dma_start3A_99 = tpu.memref_slice %arg2[%dma_start3A_97, %dma_start3A_98] : memref<10000x128xf32, #tpu.memory_space<hbm>> -> memref<10000x128xf32, #tpu.memory_space<hbm>>
      tpu.enqueue_indirect_dma source(%dma_start3A_99 : memref<10000x128xf32, #tpu.memory_space<hbm>>) target(%arg9 : memref<128x128xf32, #tpu.memory_space<vmem>>) offsets(%dma_start3A_96 : memref<128xi32, #tpu.memory_space<vmem>>) semaphore(%arg12 : memref<!tpu.dma_semaphore, #tpu.memory_space<semaphore_mem>>)
      %dma_wait3A_100 = arith.constant 0 : i32
      %dma_wait3A_101 = arith.constant 0 : i32
      %dma_wait3A_102 = tpu.memref_slice %arg6[%dma_wait3A_100, %dma_wait3A_101] : memref<40x128xi32, #tpu.memory_space<vmem>> -> memref<1x128xi32, #tpu.memory_space<vmem>>
      %dma_wait3A_103 = tpu.memref_squeeze %dma_wait3A_102 : memref<1x128xi32, #tpu.memory_space<vmem>> -> memref<128xi32, #tpu.memory_space<vmem>>
      %dma_wait3A_104 = arith.constant 0 : i32
      %dma_wait3A_105 = arith.constant 0 : i32
      %dma_wait3A_106 = tpu.memref_slice %arg2[%dma_wait3A_104, %dma_wait3A_105] : memref<10000x128xf32, #tpu.memory_space<hbm>> -> memref<10000x128xf32, #tpu.memory_space<hbm>>
      tpu.wait_indirect_dma semaphore(%arg11 : memref<!tpu.dma_semaphore, #tpu.memory_space<semaphore_mem>>) src(%dma_wait3A_106 : memref<10000x128xf32, #tpu.memory_space<hbm>>) dst(%arg8 : memref<128x128xf32, #tpu.memory_space<vmem>>)
      "tpu.region"() ({
        %run_scoped3A_124 = tpu.sem_alloc : memref<!tpu.dma_semaphore, #tpu.memory_space<semaphore_mem>>
        %dma_start3A_125 = arith.constant 0 : i32
        %dma_start3A_126 = tpu.memref_slice %arg7[%mul3A_91, %dma_start3A_125] : memref<40x128xi32, #tpu.memory_space<vmem>> -> memref<1x128xi32, #tpu.memory_space<vmem>>
        %dma_start3A_127 = tpu.memref_squeeze %dma_start3A_126 : memref<1x128xi32, #tpu.memory_space<vmem>> -> memref<128xi32, #tpu.memory_space<vmem>>
        %dma_start3A_128 = arith.constant 0 : i32
        %dma_start3A_129 = arith.constant 0 : i32
        %dma_start3A_130 = tpu.memref_slice %arg10[%dma_start3A_128, %dma_start3A_129] : memref<10240x128xf32, #tpu.memory_space<vmem_shared>> -> memref<10240x128xf32, #tpu.memory_space<vmem_shared>>
        tpu.enqueue_indirect_dma source(%arg8 : memref<128x128xf32, #tpu.memory_space<vmem>>) target(%dma_start3A_130 : memref<10240x128xf32, #tpu.memory_space<vmem_shared>>) offsets(%dma_start3A_127 : memref<128xi32, #tpu.memory_space<vmem>>) semaphore(%run_scoped3A_124 : memref<!tpu.dma_semaphore, #tpu.memory_space<semaphore_mem>>) {add = true}
        %dma_wait3A_131 = arith.constant 0 : i32
        %dma_wait3A_132 = tpu.memref_slice %arg7[%mul3A_91, %dma_wait3A_131] : memref<40x128xi32, #tpu.memory_space<vmem>> -> memref<1x128xi32, #tpu.memory_space<vmem>>
        %dma_wait3A_133 = tpu.memref_squeeze %dma_wait3A_132 : memref<1x128xi32, #tpu.memory_space<vmem>> -> memref<128xi32, #tpu.memory_space<vmem>>
        %dma_wait3A_134 = arith.constant 0 : i32
        %dma_wait3A_135 = arith.constant 0 : i32
        %dma_wait3A_136 = tpu.memref_slice %arg10[%dma_wait3A_134, %dma_wait3A_135] : memref<10240x128xf32, #tpu.memory_space<vmem_shared>> -> memref<10240x128xf32, #tpu.memory_space<vmem_shared>>
        tpu.wait_indirect_dma semaphore(%run_scoped3A_124 : memref<!tpu.dma_semaphore, #tpu.memory_space<semaphore_mem>>) src(%arg8 : memref<128x128xf32, #tpu.memory_space<vmem>>) dst(%dma_wait3A_136 : memref<10240x128xf32, #tpu.memory_space<vmem_shared>>)
        tpu.yield
      }) : () -> ()
      %add3A_107 = arith.constant 2 : i32
      %add3A_108 = arith.addi %mul3A_91, %add3A_107 : i32
      %dma_start3A_109 = arith.constant 0 : i32
      %dma_start3A_110 = tpu.memref_slice %arg6[%add3A_108, %dma_start3A_109] : memref<40x128xi32, #tpu.memory_space<vmem>> -> memref<1x128xi32, #tpu.memory_space<vmem>>
      %dma_start3A_111 = tpu.memref_squeeze %dma_start3A_110 : memref<1x128xi32, #tpu.memory_space<vmem>> -> memref<128xi32, #tpu.memory_space<vmem>>
      %dma_start3A_112 = arith.constant 0 : i32
      %dma_start3A_113 = arith.constant 0 : i32
      %dma_start3A_114 = tpu.memref_slice %arg2[%dma_start3A_112, %dma_start3A_113] : memref<10000x128xf32, #tpu.memory_space<hbm>> -> memref<10000x128xf32, #tpu.memory_space<hbm>>
      tpu.enqueue_indirect_dma source(%dma_start3A_114 : memref<10000x128xf32, #tpu.memory_space<hbm>>) target(%arg8 : memref<128x128xf32, #tpu.memory_space<vmem>>) offsets(%dma_start3A_111 : memref<128xi32, #tpu.memory_space<vmem>>) semaphore(%arg11 : memref<!tpu.dma_semaphore, #tpu.memory_space<semaphore_mem>>)
      %dma_wait3A_115 = arith.constant 0 : i32
      %dma_wait3A_116 = arith.constant 0 : i32
      %dma_wait3A_117 = tpu.memref_slice %arg6[%dma_wait3A_115, %dma_wait3A_116] : memref<40x128xi32, #tpu.memory_space<vmem>> -> memref<1x128xi32, #tpu.memory_space<vmem>>
      %dma_wait3A_118 = tpu.memref_squeeze %dma_wait3A_117 : memref<1x128xi32, #tpu.memory_space<vmem>> -> memref<128xi32, #tpu.memory_space<vmem>>
      %dma_wait3A_119 = arith.constant 0 : i32
      %dma_wait3A_120 = arith.constant 0 : i32
      %dma_wait3A_121 = tpu.memref_slice %arg2[%dma_wait3A_119, %dma_wait3A_120] : memref<10000x128xf32, #tpu.memory_space<hbm>> -> memref<10000x128xf32, #tpu.memory_space<hbm>>
      tpu.wait_indirect_dma semaphore(%arg12 : memref<!tpu.dma_semaphore, #tpu.memory_space<semaphore_mem>>) src(%dma_wait3A_121 : memref<10000x128xf32, #tpu.memory_space<hbm>>) dst(%arg9 : memref<128x128xf32, #tpu.memory_space<vmem>>)
      %add3A_122 = arith.constant 1 : i32
      %add3A_123 = arith.addi %mul3A_91, %add3A_122 : i32
      "tpu.region"() ({
        %run_scoped3A_124 = tpu.sem_alloc : memref<!tpu.dma_semaphore, #tpu.memory_space<semaphore_mem>>
        %dma_start3A_125 = arith.constant 0 : i32
        %dma_start3A_126 = tpu.memref_slice %arg7[%add3A_123, %dma_start3A_125] : memref<40x128xi32, #tpu.memory_space<vmem>> -> memref<1x128xi32, #tpu.memory_space<vmem>>
        %dma_start3A_127 = tpu.memref_squeeze %dma_start3A_126 : memref<1x128xi32, #tpu.memory_space<vmem>> -> memref<128xi32, #tpu.memory_space<vmem>>
        %dma_start3A_128 = arith.constant 0 : i32
        %dma_start3A_129 = arith.constant 0 : i32
        %dma_start3A_130 = tpu.memref_slice %arg10[%dma_start3A_128, %dma_start3A_129] : memref<10240x128xf32, #tpu.memory_space<vmem_shared>> -> memref<10240x128xf32, #tpu.memory_space<vmem_shared>>
        tpu.enqueue_indirect_dma source(%arg9 : memref<128x128xf32, #tpu.memory_space<vmem>>) target(%dma_start3A_130 : memref<10240x128xf32, #tpu.memory_space<vmem_shared>>) offsets(%dma_start3A_127 : memref<128xi32, #tpu.memory_space<vmem>>) semaphore(%run_scoped3A_124 : memref<!tpu.dma_semaphore, #tpu.memory_space<semaphore_mem>>) {add = true}
        %dma_wait3A_131 = arith.constant 0 : i32
        %dma_wait3A_132 = tpu.memref_slice %arg7[%add3A_123, %dma_wait3A_131] : memref<40x128xi32, #tpu.memory_space<vmem>> -> memref<1x128xi32, #tpu.memory_space<vmem>>
        %dma_wait3A_133 = tpu.memref_squeeze %dma_wait3A_132 : memref<1x128xi32, #tpu.memory_space<vmem>> -> memref<128xi32, #tpu.memory_space<vmem>>
        %dma_wait3A_134 = arith.constant 0 : i32
        %dma_wait3A_135 = arith.constant 0 : i32
        %dma_wait3A_136 = tpu.memref_slice %arg10[%dma_wait3A_134, %dma_wait3A_135] : memref<10240x128xf32, #tpu.memory_space<vmem_shared>> -> memref<10240x128xf32, #tpu.memory_space<vmem_shared>>
        tpu.wait_indirect_dma semaphore(%run_scoped3A_124 : memref<!tpu.dma_semaphore, #tpu.memory_space<semaphore_mem>>) src(%arg9 : memref<128x128xf32, #tpu.memory_space<vmem>>) dst(%dma_wait3A_136 : memref<10240x128xf32, #tpu.memory_space<vmem_shared>>)
        tpu.yield
      }) : () -> ()
    }
    %scan3A_64 = arith.constant 19 : i32
    %dma_start3A_65 = arith.constant 39 : i32
    %dma_start3A_66 = arith.constant 0 : i32
    %dma_start3A_67 = tpu.memref_slice %arg6[%dma_start3A_65, %dma_start3A_66] : memref<40x128xi32, #tpu.memory_space<vmem>> -> memref<1x128xi32, #tpu.memory_space<vmem>>
    %dma_start3A_68 = tpu.memref_squeeze %dma_start3A_67 : memref<1x128xi32, #tpu.memory_space<vmem>> -> memref<128xi32, #tpu.memory_space<vmem>>
    %dma_start3A_69 = arith.constant 0 : i32
    %dma_start3A_70 = arith.constant 0 : i32
    %dma_start3A_71 = tpu.memref_slice %arg2[%dma_start3A_69, %dma_start3A_70] : memref<10000x128xf32, #tpu.memory_space<hbm>> -> memref<10000x128xf32, #tpu.memory_space<hbm>>
    tpu.enqueue_indirect_dma source(%dma_start3A_71 : memref<10000x128xf32, #tpu.memory_space<hbm>>) target(%arg9 : memref<128x128xf32, #tpu.memory_space<vmem>>) offsets(%dma_start3A_68 : memref<128xi32, #tpu.memory_space<vmem>>) semaphore(%arg12 : memref<!tpu.dma_semaphore, #tpu.memory_space<semaphore_mem>>)
    %dma_wait3A_72 = arith.constant 0 : i32
    %dma_wait3A_73 = arith.constant 0 : i32
    %dma_wait3A_74 = tpu.memref_slice %arg6[%dma_wait3A_72, %dma_wait3A_73] : memref<40x128xi32, #tpu.memory_space<vmem>> -> memref<1x128xi32, #tpu.memory_space<vmem>>
    %dma_wait3A_75 = tpu.memref_squeeze %dma_wait3A_74 : memref<1x128xi32, #tpu.memory_space<vmem>> -> memref<128xi32, #tpu.memory_space<vmem>>
    %dma_wait3A_76 = arith.constant 0 : i32
    %dma_wait3A_77 = arith.constant 0 : i32
    %dma_wait3A_78 = tpu.memref_slice %arg2[%dma_wait3A_76, %dma_wait3A_77] : memref<10000x128xf32, #tpu.memory_space<hbm>> -> memref<10000x128xf32, #tpu.memory_space<hbm>>
    tpu.wait_indirect_dma semaphore(%arg11 : memref<!tpu.dma_semaphore, #tpu.memory_space<semaphore_mem>>) src(%dma_wait3A_78 : memref<10000x128xf32, #tpu.memory_space<hbm>>) dst(%arg8 : memref<128x128xf32, #tpu.memory_space<vmem>>)
    %run_scoped3A_79 = arith.constant 38 : i32
    "tpu.region"() ({
      %run_scoped3A_89 = tpu.sem_alloc : memref<!tpu.dma_semaphore, #tpu.memory_space<semaphore_mem>>
      %dma_start3A_90 = arith.constant 0 : i32
      %dma_start3A_91 = tpu.memref_slice %arg7[%run_scoped3A_79, %dma_start3A_90] : memref<40x128xi32, #tpu.memory_space<vmem>> -> memref<1x128xi32, #tpu.memory_space<vmem>>
      %dma_start3A_92 = tpu.memref_squeeze %dma_start3A_91 : memref<1x128xi32, #tpu.memory_space<vmem>> -> memref<128xi32, #tpu.memory_space<vmem>>
      %dma_start3A_93 = arith.constant 0 : i32
      %dma_start3A_94 = arith.constant 0 : i32
      %dma_start3A_95 = tpu.memref_slice %arg10[%dma_start3A_93, %dma_start3A_94] : memref<10240x128xf32, #tpu.memory_space<vmem_shared>> -> memref<10240x128xf32, #tpu.memory_space<vmem_shared>>
      tpu.enqueue_indirect_dma source(%arg8 : memref<128x128xf32, #tpu.memory_space<vmem>>) target(%dma_start3A_95 : memref<10240x128xf32, #tpu.memory_space<vmem_shared>>) offsets(%dma_start3A_92 : memref<128xi32, #tpu.memory_space<vmem>>) semaphore(%run_scoped3A_89 : memref<!tpu.dma_semaphore, #tpu.memory_space<semaphore_mem>>) {add = true}
      %dma_wait3A_96 = arith.constant 0 : i32
      %dma_wait3A_97 = tpu.memref_slice %arg7[%run_scoped3A_79, %dma_wait3A_96] : memref<40x128xi32, #tpu.memory_space<vmem>> -> memref<1x128xi32, #tpu.memory_space<vmem>>
      %dma_wait3A_98 = tpu.memref_squeeze %dma_wait3A_97 : memref<1x128xi32, #tpu.memory_space<vmem>> -> memref<128xi32, #tpu.memory_space<vmem>>
      %dma_wait3A_99 = arith.constant 0 : i32
      %dma_wait3A_100 = arith.constant 0 : i32
      %dma_wait3A_101 = tpu.memref_slice %arg10[%dma_wait3A_99, %dma_wait3A_100] : memref<10240x128xf32, #tpu.memory_space<vmem_shared>> -> memref<10240x128xf32, #tpu.memory_space<vmem_shared>>
      tpu.wait_indirect_dma semaphore(%run_scoped3A_89 : memref<!tpu.dma_semaphore, #tpu.memory_space<semaphore_mem>>) src(%arg8 : memref<128x128xf32, #tpu.memory_space<vmem>>) dst(%dma_wait3A_101 : memref<10240x128xf32, #tpu.memory_space<vmem_shared>>)
      tpu.yield
    }) : () -> ()
    %dma_wait3A_80 = arith.constant 0 : i32
    %dma_wait3A_81 = arith.constant 0 : i32
    %dma_wait3A_82 = tpu.memref_slice %arg6[%dma_wait3A_80, %dma_wait3A_81] : memref<40x128xi32, #tpu.memory_space<vmem>> -> memref<1x128xi32, #tpu.memory_space<vmem>>
    %dma_wait3A_83 = tpu.memref_squeeze %dma_wait3A_82 : memref<1x128xi32, #tpu.memory_space<vmem>> -> memref<128xi32, #tpu.memory_space<vmem>>
    %dma_wait3A_84 = arith.constant 0 : i32
    %dma_wait3A_85 = arith.constant 0 : i32
    %dma_wait3A_86 = tpu.memref_slice %arg2[%dma_wait3A_84, %dma_wait3A_85] : memref<10000x128xf32, #tpu.memory_space<hbm>> -> memref<10000x128xf32, #tpu.memory_space<hbm>>
    tpu.wait_indirect_dma semaphore(%arg12 : memref<!tpu.dma_semaphore, #tpu.memory_space<semaphore_mem>>) src(%dma_wait3A_86 : memref<10000x128xf32, #tpu.memory_space<hbm>>) dst(%arg9 : memref<128x128xf32, #tpu.memory_space<vmem>>)
    %run_scoped3A_87 = arith.constant 39 : i32
    "tpu.region"() ({
      %run_scoped3A_89 = tpu.sem_alloc : memref<!tpu.dma_semaphore, #tpu.memory_space<semaphore_mem>>
      %dma_start3A_90 = arith.constant 0 : i32
      %dma_start3A_91 = tpu.memref_slice %arg7[%run_scoped3A_87, %dma_start3A_90] : memref<40x128xi32, #tpu.memory_space<vmem>> -> memref<1x128xi32, #tpu.memory_space<vmem>>
      %dma_start3A_92 = tpu.memref_squeeze %dma_start3A_91 : memref<1x128xi32, #tpu.memory_space<vmem>> -> memref<128xi32, #tpu.memory_space<vmem>>
      %dma_start3A_93 = arith.constant 0 : i32
      %dma_start3A_94 = arith.constant 0 : i32
      %dma_start3A_95 = tpu.memref_slice %arg10[%dma_start3A_93, %dma_start3A_94] : memref<10240x128xf32, #tpu.memory_space<vmem_shared>> -> memref<10240x128xf32, #tpu.memory_space<vmem_shared>>
      tpu.enqueue_indirect_dma source(%arg9 : memref<128x128xf32, #tpu.memory_space<vmem>>) target(%dma_start3A_95 : memref<10240x128xf32, #tpu.memory_space<vmem_shared>>) offsets(%dma_start3A_92 : memref<128xi32, #tpu.memory_space<vmem>>) semaphore(%run_scoped3A_89 : memref<!tpu.dma_semaphore, #tpu.memory_space<semaphore_mem>>) {add = true}
      %dma_wait3A_96 = arith.constant 0 : i32
      %dma_wait3A_97 = tpu.memref_slice %arg7[%run_scoped3A_87, %dma_wait3A_96] : memref<40x128xi32, #tpu.memory_space<vmem>> -> memref<1x128xi32, #tpu.memory_space<vmem>>
      %dma_wait3A_98 = tpu.memref_squeeze %dma_wait3A_97 : memref<1x128xi32, #tpu.memory_space<vmem>> -> memref<128xi32, #tpu.memory_space<vmem>>
      %dma_wait3A_99 = arith.constant 0 : i32
      %dma_wait3A_100 = arith.constant 0 : i32
      %dma_wait3A_101 = tpu.memref_slice %arg10[%dma_wait3A_99, %dma_wait3A_100] : memref<10240x128xf32, #tpu.memory_space<vmem_shared>> -> memref<10240x128xf32, #tpu.memory_space<vmem_shared>>
      tpu.wait_indirect_dma semaphore(%run_scoped3A_89 : memref<!tpu.dma_semaphore, #tpu.memory_space<semaphore_mem>>) src(%arg9 : memref<128x128xf32, #tpu.memory_space<vmem>>) dst(%dma_wait3A_101 : memref<10240x128xf32, #tpu.memory_space<vmem_shared>>)
      tpu.yield
    }) : () -> ()
    %barrier3A_88 = arith.constant 0 : index
    tpu.barrier barrier_id(%barrier3A_88)
    "tpu.region"() ({
      %run_scoped3A_89 = tpu.sem_alloc : memref<!tpu.dma_semaphore, #tpu.memory_space<semaphore_mem>>
      %dma_start3A_90 = arith.constant 0 : i32
      %dma_start3A_91 = tpu.memref_slice %arg5[%arg0, %mul3A_8, %dma_start3A_90] : memref<2x10240x128xf32, #tpu.memory_space<hbm>> -> memref<1x640x128xf32, #tpu.memory_space<hbm>>
      %dma_start3A_92 = tpu.memref_squeeze %dma_start3A_91 : memref<1x640x128xf32, #tpu.memory_space<hbm>> -> memref<640x128xf32, #tpu.memory_space<hbm>>
      %dma_start3A_93 = arith.constant 0 : i32
      %dma_start3A_94 = tpu.memref_slice %arg10[%mul3A_8, %dma_start3A_93] : memref<10240x128xf32, #tpu.memory_space<vmem_shared>> -> memref<640x128xf32, #tpu.memory_space<vmem_shared>>
      tpu.enqueue_dma source(%dma_start3A_94 : memref<640x128xf32, #tpu.memory_space<vmem_shared>>) target(%dma_start3A_92 : memref<640x128xf32, #tpu.memory_space<hbm>>) target_semaphore(%run_scoped3A_89 : memref<!tpu.dma_semaphore, #tpu.memory_space<semaphore_mem>>)
      %dma_wait3A_95 = arith.constant 0 : i32
      %dma_wait3A_96 = tpu.memref_slice %arg5[%arg0, %mul3A_8, %dma_wait3A_95] : memref<2x10240x128xf32, #tpu.memory_space<hbm>> -> memref<1x640x128xf32, #tpu.memory_space<hbm>>
      %dma_wait3A_97 = tpu.memref_squeeze %dma_wait3A_96 : memref<1x640x128xf32, #tpu.memory_space<hbm>> -> memref<640x128xf32, #tpu.memory_space<hbm>>
      %dma_wait3A_98 = arith.constant 0 : i32
      %dma_wait3A_99 = tpu.memref_slice %arg10[%mul3A_8, %dma_wait3A_98] : memref<10240x128xf32, #tpu.memory_space<vmem_shared>> -> memref<640x128xf32, #tpu.memory_space<vmem_shared>>
      tpu.wait_dma2 semaphore(%run_scoped3A_89 : memref<!tpu.dma_semaphore, #tpu.memory_space<semaphore_mem>>) src(%dma_wait3A_99 : memref<640x128xf32, #tpu.memory_space<vmem_shared>>) dst(%dma_wait3A_97 : memref<640x128xf32, #tpu.memory_space<hbm>>)
      tpu.yield
    }) : () -> ()
    return
  }
}

module attributes {stable_mosaic.version = 14 : i64} {
  func.func @_mlp1_body(%arg0: memref<10000x128xf32, #tpu.memory_space<vmem>>, %arg1: memref<2x10240x128xf32, #tpu.memory_space<vmem>>, %arg2: memref<128x128xf32, #tpu.memory_space<vmem>>, %arg3: memref<1x128xf32, #tpu.memory_space<vmem>>, %arg4: memref<1x128xf32, #tpu.memory_space<vmem>>, %arg5: memref<1x128xf32, #tpu.memory_space<vmem>>, %arg6: memref<128x128xf32, #tpu.memory_space<vmem>>, %arg7: memref<1x128xf32, #tpu.memory_space<vmem>>, %arg8: memref<10000x128xf32, #tpu.memory_space<vmem>>) attributes {dimension_semantics = [], scalar_prefetch = 0 : i64, scratch_operands = 0 : i64, tpu.core_type = #tpu.core_type<tc>} {
    %get3A = arith.constant 0 : index
    %get3A_0 = arith.constant 0 : index
    %get3A_1 = vector.load %arg0[%get3A, %get3A_0] : memref<10000x128xf32, #tpu.memory_space<vmem>>, vector<10000x128xf32>
    %get3A_2 = arith.constant 0 : index
    %get3A_3 = arith.constant 0 : index
    %get3A_4 = arith.constant 0 : index
    %get3A_5 = vector.load %arg1[%get3A_2, %get3A_3, %get3A_4] : memref<2x10240x128xf32, #tpu.memory_space<vmem>>, vector<1x10000x128xf32>
    %get3A_6 = vector.shape_cast %get3A_5 : vector<1x10000x128xf32> to vector<10000x128xf32>
    %add3A = arith.addf %get3A_1, %get3A_6 : vector<10000x128xf32>
    %get3A_7 = arith.constant 1 : index
    %get3A_8 = arith.constant 0 : index
    %get3A_9 = arith.constant 0 : index
    %get3A_10 = vector.load %arg1[%get3A_7, %get3A_8, %get3A_9] : memref<2x10240x128xf32, #tpu.memory_space<vmem>>, vector<1x10000x128xf32>
    %get3A_11 = vector.shape_cast %get3A_10 : vector<1x10000x128xf32> to vector<10000x128xf32>
    %add3A_12 = arith.addf %add3A, %get3A_11 : vector<10000x128xf32>
    %get3A_13 = arith.constant 0 : index
    %get3A_14 = arith.constant 0 : index
    %get3A_15 = vector.load %arg2[%get3A_13, %get3A_14] : memref<128x128xf32, #tpu.memory_space<vmem>>, vector<128x128xf32>
    %dot_general3A = arith.constant dense<0.000000e+00> : vector<10000x128xf32>
    %dot_general3A_16 = tpu.matmul %add3A_12, %get3A_15, %dot_general3A {dimension_numbers = #tpu.dot_dimension_numbers<[1], [0], [0], [1], [0, 0, 1, 1], [], []>, transpose_lhs_hint = false} : vector<10000x128xf32>, vector<128x128xf32>, vector<10000x128xf32> -> vector<10000x128xf32>
    %get3A_17 = arith.constant 0 : index
    %get3A_18 = arith.constant 0 : index
    %get3A_19 = vector.load %arg3[%get3A_17, %get3A_18] : memref<1x128xf32, #tpu.memory_space<vmem>>, vector<1x128xf32>
    %add3A_20 = vector.broadcast %get3A_19 : vector<1x128xf32> to vector<10000x128xf32>
    %add3A_21 = arith.addf %dot_general3A_16, %add3A_20 : vector<10000x128xf32>
    %get3A_22 = arith.constant 0 : index
    %get3A_23 = arith.constant 0 : index
    %get3A_24 = vector.load %arg4[%get3A_22, %get3A_23] : memref<1x128xf32, #tpu.memory_space<vmem>>, vector<1x128xf32>
    %mul3A = arith.constant 0.999994993 : f32
    %mul3A_25 = vector.broadcast %mul3A : f32 to vector<1x128xf32>
    %mul3A_26 = arith.mulf %get3A_24, %mul3A_25 : vector<1x128xf32>
    %mul3A_27 = vector.broadcast %mul3A_26 : vector<1x128xf32> to vector<10000x128xf32>
    %mul3A_28 = arith.mulf %add3A_21, %mul3A_27 : vector<10000x128xf32>
    %get3A_29 = arith.constant 0 : index
    %get3A_30 = arith.constant 0 : index
    %get3A_31 = vector.load %arg5[%get3A_29, %get3A_30] : memref<1x128xf32, #tpu.memory_space<vmem>>, vector<1x128xf32>
    %add3A_32 = vector.broadcast %get3A_31 : vector<1x128xf32> to vector<10000x128xf32>
    %add3A_33 = arith.addf %mul3A_28, %add3A_32 : vector<10000x128xf32>
    %max3A = arith.constant 0.000000e+00 : f32
    %max3A_34 = vector.broadcast %max3A : f32 to vector<10000x128xf32>
    %max3A_35 = arith.maximumf %add3A_33, %max3A_34 : vector<10000x128xf32>
    %get3A_36 = arith.constant 0 : index
    %get3A_37 = arith.constant 0 : index
    %get3A_38 = vector.load %arg6[%get3A_36, %get3A_37] : memref<128x128xf32, #tpu.memory_space<vmem>>, vector<128x128xf32>
    %dot_general3A_39 = arith.constant dense<0.000000e+00> : vector<10000x128xf32>
    %dot_general3A_40 = tpu.matmul %max3A_35, %get3A_38, %dot_general3A_39 {dimension_numbers = #tpu.dot_dimension_numbers<[1], [0], [0], [1], [0, 0, 1, 1], [], []>, transpose_lhs_hint = false} : vector<10000x128xf32>, vector<128x128xf32>, vector<10000x128xf32> -> vector<10000x128xf32>
    %get3A_41 = arith.constant 0 : index
    %get3A_42 = arith.constant 0 : index
    %get3A_43 = vector.load %arg7[%get3A_41, %get3A_42] : memref<1x128xf32, #tpu.memory_space<vmem>>, vector<1x128xf32>
    %add3A_44 = vector.broadcast %get3A_43 : vector<1x128xf32> to vector<10000x128xf32>
    %add3A_45 = arith.addf %dot_general3A_40, %add3A_44 : vector<10000x128xf32>
    %max3A_46 = arith.constant 0.000000e+00 : f32
    %max3A_47 = vector.broadcast %max3A_46 : f32 to vector<10000x128xf32>
    %max3A_48 = arith.maximumf %add3A_45, %max3A_47 : vector<10000x128xf32>
    %swap3A = arith.constant 0 : index
    %swap3A_49 = arith.constant 0 : index
    %swap3A_50 = vector.load %arg8[%swap3A, %swap3A_49] : memref<10000x128xf32, #tpu.memory_space<vmem>>, vector<10000x128xf32>
    tpu.vector_store %arg8[%swap3A, %swap3A_49], %max3A_48 {strides = array<i32>} : memref<10000x128xf32, #tpu.memory_space<vmem>>, vector<10000x128xf32>,
    return
  }
}

module attributes {stable_mosaic.version = 14 : i64} {
  func.func @_mlp2_body(%arg0: memref<10000x128xf32, #tpu.memory_space<vmem>>, %arg1: memref<2x10240x128xf32, #tpu.memory_space<vmem>>, %arg2: memref<128x128xf32, #tpu.memory_space<vmem>>, %arg3: memref<1x128xf32, #tpu.memory_space<vmem>>, %arg4: memref<1x128xf32, #tpu.memory_space<vmem>>, %arg5: memref<1x128xf32, #tpu.memory_space<vmem>>, %arg6: memref<128x128xf32, #tpu.memory_space<vmem>>, %arg7: memref<1x128xf32, #tpu.memory_space<vmem>>, %arg8: memref<128x128xf32, #tpu.memory_space<vmem>>, %arg9: memref<1x128xf32, #tpu.memory_space<vmem>>, %arg10: memref<128x64xf32, #tpu.memory_space<vmem>>, %arg11: memref<1x64xf32, #tpu.memory_space<vmem>>, %arg12: memref<10000x64xf32, #tpu.memory_space<vmem>>) attributes {dimension_semantics = [], scalar_prefetch = 0 : i64, scratch_operands = 0 : i64, tpu.core_type = #tpu.core_type<tc>} {
    %get3A = arith.constant 0 : index
    %get3A_0 = arith.constant 0 : index
    %get3A_1 = vector.load %arg0[%get3A, %get3A_0] : memref<10000x128xf32, #tpu.memory_space<vmem>>, vector<10000x128xf32>
    %get3A_2 = arith.constant 0 : index
    %get3A_3 = arith.constant 0 : index
    %get3A_4 = arith.constant 0 : index
    %get3A_5 = vector.load %arg1[%get3A_2, %get3A_3, %get3A_4] : memref<2x10240x128xf32, #tpu.memory_space<vmem>>, vector<1x10000x128xf32>
    %get3A_6 = vector.shape_cast %get3A_5 : vector<1x10000x128xf32> to vector<10000x128xf32>
    %add3A = arith.addf %get3A_1, %get3A_6 : vector<10000x128xf32>
    %get3A_7 = arith.constant 1 : index
    %get3A_8 = arith.constant 0 : index
    %get3A_9 = arith.constant 0 : index
    %get3A_10 = vector.load %arg1[%get3A_7, %get3A_8, %get3A_9] : memref<2x10240x128xf32, #tpu.memory_space<vmem>>, vector<1x10000x128xf32>
    %get3A_11 = vector.shape_cast %get3A_10 : vector<1x10000x128xf32> to vector<10000x128xf32>
    %add3A_12 = arith.addf %add3A, %get3A_11 : vector<10000x128xf32>
    %get3A_13 = arith.constant 0 : index
    %get3A_14 = arith.constant 0 : index
    %get3A_15 = vector.load %arg2[%get3A_13, %get3A_14] : memref<128x128xf32, #tpu.memory_space<vmem>>, vector<128x128xf32>
    %dot_general3A = arith.constant dense<0.000000e+00> : vector<10000x128xf32>
    %dot_general3A_16 = tpu.matmul %add3A_12, %get3A_15, %dot_general3A {dimension_numbers = #tpu.dot_dimension_numbers<[1], [0], [0], [1], [0, 0, 1, 1], [], []>, transpose_lhs_hint = false} : vector<10000x128xf32>, vector<128x128xf32>, vector<10000x128xf32> -> vector<10000x128xf32>
    %get3A_17 = arith.constant 0 : index
    %get3A_18 = arith.constant 0 : index
    %get3A_19 = vector.load %arg3[%get3A_17, %get3A_18] : memref<1x128xf32, #tpu.memory_space<vmem>>, vector<1x128xf32>
    %add3A_20 = vector.broadcast %get3A_19 : vector<1x128xf32> to vector<10000x128xf32>
    %add3A_21 = arith.addf %dot_general3A_16, %add3A_20 : vector<10000x128xf32>
    %get3A_22 = arith.constant 0 : index
    %get3A_23 = arith.constant 0 : index
    %get3A_24 = vector.load %arg4[%get3A_22, %get3A_23] : memref<1x128xf32, #tpu.memory_space<vmem>>, vector<1x128xf32>
    %mul3A = arith.constant 0.999994993 : f32
    %mul3A_25 = vector.broadcast %mul3A : f32 to vector<1x128xf32>
    %mul3A_26 = arith.mulf %get3A_24, %mul3A_25 : vector<1x128xf32>
    %mul3A_27 = vector.broadcast %mul3A_26 : vector<1x128xf32> to vector<10000x128xf32>
    %mul3A_28 = arith.mulf %add3A_21, %mul3A_27 : vector<10000x128xf32>
    %get3A_29 = arith.constant 0 : index
    %get3A_30 = arith.constant 0 : index
    %get3A_31 = vector.load %arg5[%get3A_29, %get3A_30] : memref<1x128xf32, #tpu.memory_space<vmem>>, vector<1x128xf32>
    %add3A_32 = vector.broadcast %get3A_31 : vector<1x128xf32> to vector<10000x128xf32>
    %add3A_33 = arith.addf %mul3A_28, %add3A_32 : vector<10000x128xf32>
    %max3A = arith.constant 0.000000e+00 : f32
    %max3A_34 = vector.broadcast %max3A : f32 to vector<10000x128xf32>
    %max3A_35 = arith.maximumf %add3A_33, %max3A_34 : vector<10000x128xf32>
    %get3A_36 = arith.constant 0 : index
    %get3A_37 = arith.constant 0 : index
    %get3A_38 = vector.load %arg6[%get3A_36, %get3A_37] : memref<128x128xf32, #tpu.memory_space<vmem>>, vector<128x128xf32>
    %dot_general3A_39 = arith.constant dense<0.000000e+00> : vector<10000x128xf32>
    %dot_general3A_40 = tpu.matmul %max3A_35, %get3A_38, %dot_general3A_39 {dimension_numbers = #tpu.dot_dimension_numbers<[1], [0], [0], [1], [0, 0, 1, 1], [], []>, transpose_lhs_hint = false} : vector<10000x128xf32>, vector<128x128xf32>, vector<10000x128xf32> -> vector<10000x128xf32>
    %get3A_41 = arith.constant 0 : index
    %get3A_42 = arith.constant 0 : index
    %get3A_43 = vector.load %arg7[%get3A_41, %get3A_42] : memref<1x128xf32, #tpu.memory_space<vmem>>, vector<1x128xf32>
    %add3A_44 = vector.broadcast %get3A_43 : vector<1x128xf32> to vector<10000x128xf32>
    %add3A_45 = arith.addf %dot_general3A_40, %add3A_44 : vector<10000x128xf32>
    %max3A_46 = arith.constant 0.000000e+00 : f32
    %max3A_47 = vector.broadcast %max3A_46 : f32 to vector<10000x128xf32>
    %max3A_48 = arith.maximumf %add3A_45, %max3A_47 : vector<10000x128xf32>
    %get3A_49 = arith.constant 0 : index
    %get3A_50 = arith.constant 0 : index
    %get3A_51 = vector.load %arg8[%get3A_49, %get3A_50] : memref<128x128xf32, #tpu.memory_space<vmem>>, vector<128x128xf32>
    %dot_general3A_52 = arith.constant dense<0.000000e+00> : vector<10000x128xf32>
    %dot_general3A_53 = tpu.matmul %max3A_48, %get3A_51, %dot_general3A_52 {dimension_numbers = #tpu.dot_dimension_numbers<[1], [0], [0], [1], [0, 0, 1, 1], [], []>, transpose_lhs_hint = false} : vector<10000x128xf32>, vector<128x128xf32>, vector<10000x128xf32> -> vector<10000x128xf32>
    %get3A_54 = arith.constant 0 : index
    %get3A_55 = arith.constant 0 : index
    %get3A_56 = vector.load %arg9[%get3A_54, %get3A_55] : memref<1x128xf32, #tpu.memory_space<vmem>>, vector<1x128xf32>
    %add3A_57 = vector.broadcast %get3A_56 : vector<1x128xf32> to vector<10000x128xf32>
    %add3A_58 = arith.addf %dot_general3A_53, %add3A_57 : vector<10000x128xf32>
    %max3A_59 = arith.constant 0.000000e+00 : f32
    %max3A_60 = vector.broadcast %max3A_59 : f32 to vector<10000x128xf32>
    %max3A_61 = arith.maximumf %add3A_58, %max3A_60 : vector<10000x128xf32>
    %get3A_62 = arith.constant 0 : index
    %get3A_63 = arith.constant 0 : index
    %get3A_64 = vector.load %arg10[%get3A_62, %get3A_63] : memref<128x64xf32, #tpu.memory_space<vmem>>, vector<128x64xf32>
    %dot_general3A_65 = arith.constant dense<0.000000e+00> : vector<10000x64xf32>
    %dot_general3A_66 = tpu.matmul %max3A_61, %get3A_64, %dot_general3A_65 {dimension_numbers = #tpu.dot_dimension_numbers<[1], [0], [0], [1], [0, 0, 1, 1], [], []>, transpose_lhs_hint = false} : vector<10000x128xf32>, vector<128x64xf32>, vector<10000x64xf32> -> vector<10000x64xf32>
    %get3A_67 = arith.constant 0 : index
    %get3A_68 = arith.constant 0 : index
    %get3A_69 = vector.load %arg11[%get3A_67, %get3A_68] : memref<1x64xf32, #tpu.memory_space<vmem>>, vector<1x64xf32>
    %add3A_70 = vector.broadcast %get3A_69 : vector<1x64xf32> to vector<10000x64xf32>
    %add3A_71 = arith.addf %dot_general3A_66, %add3A_70 : vector<10000x64xf32>
    %reduce_max3A = arith.constant dense<0xFF800000> : vector<10000xf32>
    %reduce_max3A_72 = vector.multi_reduction <maximumf>, %add3A_71, %reduce_max3A [1] : vector<10000x64xf32> to vector<10000xf32>
    %broadcast_in_dim3A = vector.shape_cast %reduce_max3A_72 : vector<10000xf32> to vector<10000x1xf32>
    %sub3A = vector.broadcast %broadcast_in_dim3A : vector<10000x1xf32> to vector<10000x64xf32>
    %sub3A_73 = arith.subf %add3A_71, %sub3A : vector<10000x64xf32>
    %exp3A = math.exp %sub3A_73 : vector<10000x64xf32>
    %reduce_sum3A = arith.constant dense<0.000000e+00> : vector<10000xf32>
    %reduce_sum3A_74 = vector.multi_reduction <add>, %exp3A, %reduce_sum3A [1] : vector<10000x64xf32> to vector<10000xf32>
    %broadcast_in_dim3A_75 = vector.shape_cast %reduce_sum3A_74 : vector<10000xf32> to vector<10000x1xf32>
    %log3A = math.log %broadcast_in_dim3A_75 : vector<10000x1xf32>
    %add3A_76 = arith.addf %log3A, %broadcast_in_dim3A : vector<10000x1xf32>
    %sub3A_77 = vector.broadcast %add3A_76 : vector<10000x1xf32> to vector<10000x64xf32>
    %sub3A_78 = arith.subf %add3A_71, %sub3A_77 : vector<10000x64xf32>
    %swap3A = arith.constant 0 : index
    %swap3A_79 = arith.constant 0 : index
    %swap3A_80 = vector.load %arg12[%swap3A, %swap3A_79] : memref<10000x64xf32, #tpu.memory_space<vmem>>, vector<10000x64xf32>
    tpu.vector_store %arg12[%swap3A, %swap3A_79], %sub3A_78 {strides = array<i32>} : memref<10000x64xf32, #tpu.memory_space<vmem>>, vector<10000x64xf32>,
    return
  }
}

</mosaic_0001>

<sc_bundles>
// kernel: kernel.6.cloned.1.call-start
scs
__scs_entry_jumppad:
0x0: {  	(pc) =	sbr.rel $0x88, $3  }
0x1: {  	(tag) =	ssettag $0x0;
	lr =	simm.s32 $0x1  }
0x2: {  	[smem:$0x3F8F] =	sst lr;
	_ =	strace $0xD0000000  }
0x3: {  	_ = 	snop  }
0x4: {  	_ = 	snop  }
0x5: {  	_ = 	snop  }
0x6: {  	_ = 	snop  }
0x7: {  	_ = 	snop  }
__scs_overlays_trampoline_lowered:
0x8: {  	[smem:$0x3F9E] =	sst s0  }
0x9: {  	[smem:$0x3F9F] =	sst s1  }
0xa: {  	[smem:$0x3FA0] =	sst s2  }
0xb: {  	[smem:$0x3FA1] =	sst s3  }
0xc: {  	[smem:$0x3FA2] =	sst s4  }
0xd: {  	[smem:$0x3FA3] =	sst s5  }
0xe: {  	[smem:$0x3FA4] =	sst s6  }
0xf: {  	[smem:$0x3FA5] =	sst s7  }
0x10: {  	[smem:$0x3FA6] =	sst s8  }
0x11: {  	[smem:$0x3FA7] =	sst s9;
	s0 =	simm.s32 @!p0 $0x0  }
0x12: {  	s1 =	sld [smem:$0x3F8D];
	s0 =	simm.s32 @p0 $0x1  }
0x13: {  	[smem:$0x3FA8] =	sst s0;
	s0 =	simm.s32 @!p1 $0x0  }
0x14: {  	s2 =	sld [smem:$0x3F8C];
	s0 =	simm.s32 @p1 $0x1  }
0x15: {  	[smem:$0x3FA9] =	sst s0;
	s0 =	simm.s32 @!p2 $0x0  }
0x16: {  	s3 =	sld [smem:$0x3FDB];
	s0 =	simm.s32 @p2 $0x1  }
0x17: {  	s4 =	simm.s32 $0x1BF5;
	[smem:$0x3FAB] =	sst s0  }
0x18: {  	s0 =	sld [smem:$0x3F8E];
	_ =	swait.ge [sflag:s4], $0x0  }
0x19: {  	s7 =	sld [smem:$0x3F8F]  }
0x1a: {  	s8 =	sadd.s32 $0xFFFFE003, lr  }
0x1b: {  	s9 =	sadd.s32 $0xFFFFFEF7, lr;
	s5 =	simm.s32 $0xFFFFFFFF;
	p2 =	slt.u32 s8, $0xFFFFF086  }
0x1c: {  	p1 =	slt.u32 s9, $0xF7A;
	s5 =	simm.s32 @!p2 $0x0  }
0x1d: {  	s5 =	simm.s32 @p1 $0x1;
	p0 =	seq.s32 s7, s2  }
0x1e: {  	s7 =	smul.u32 @!p0 $0xF7A, s2;
	p2 =	seq.s32 @!p0 s5, $0x0  }
0x1f: {  	s9 =	smul.u32 $0xF7A, s1;
	s8 =	simm.s32 @!p0 $0x1BF5;
	p2 =	por !p2, p0  }
0x20: {  	[sflag:s8] =	ssyncset.s32 @!p0 $0xFFFFF086;
	s6 =	sadd.s32 @!p0 s3, s7;
	s7 =	simm.s32 @!p0 $0x108  }
0x21: {  	s3 =	sadd.s32 s3, s9;
	s6 =	sadd.s32 @!p0 $0x88, s6;
	s7 =	simm.s32 @p2 $0x1082  }
0x22: {  	[simem:s7], [sflag:s8] =	dma.local @!p0 [hbm:s6], $0xF7A  }
0x23: {  	s9 =	sor.u32 $0xD0000000, s2;
	s6 =	simm.s32 $0x108;
	_ =	swait.ge @!p0 [sflag:s8], $0x0  }
0x24: {  	s3 =	sadd.s32 $0x88, s3;
	s6 =	simm.s32 @!p1 $0x1082;
	[sflag:s4] =	ssyncset.s32 $0xFFFFF086  }
0x25: {  	[simem:s6], [sflag:s4] =	dma.local [hbm:s3], $0xF7A  }
0x26: {  	[smem:$0x3F8F] =	sst s1;
	(tag) =	ssettag s2;
	_ =	strace s9  }
0x27: {  	s1 =	sld [smem:$0x3F9F]  }
0x28: {  	s2 =	sld [smem:$0x3FA0]  }
0x29: {  	s4 =	sld [smem:$0x3FA2]  }
0x2a: {  	p0 =	seq.s32 s5, $0x0;
	s5 =	sld [smem:$0x3FA3]  }
0x2b: {  	s6 =	sld [smem:$0x3FA4]  }
0x2c: {  	s7 =	sld [smem:$0x3FA5]  }
0x2d: {  	s3 =	simm.s32 $0x108;
	s8 =	sld [smem:$0x3FA6]  }
0x2e: {  	s3 =	simm.s32 @!p0 $0x1082;
	s9 =	sld [smem:$0x3FA7]  }
0x2f: {  	lr =	sadd.s32 s0, s3;
	s0 =	sld [smem:$0x3F9E]  }
0x30: {  	s3 =	sld [smem:$0x3FA1]  }
0x31: {  	[smem:$0x3FAA] =	sst s10  }
0x32: {  	s10 =	sld [smem:$0x3FA8];
	_ =	sdelay $0x3  }
0x33: {  	p0 =	seq.s32 s10, $0x1;
	s10 =	sld [smem:$0x3FAA];
	_ =	sdelay $0x3  }
0x34: {  	[smem:$0x3FAA] =	sst s10  }
0x35: {  	s10 =	sld [smem:$0x3FA9];
	_ =	sdelay $0x3  }
0x36: {  	p1 =	seq.s32 s10, $0x1;
	s10 =	sld [smem:$0x3FAA];
	_ =	sdelay $0x3  }
0x37: {  	[smem:$0x3FAA] =	sst s10  }
0x38: {  	s10 =	sld [smem:$0x3FAB]  }
0x39: {  	_ = 	snop;
	(pc) =	sbr.ind lr, $3  }
0x3a: {  	_ = 	snop  }
0x3b: {  	_ = 	snop  }
0x3c: {  	p2 =	seq.s32 s10, $0x1;
	s10 =	sld [smem:$0x3FAA]  }
0x3d: {  	_ =	shalt  }
0x3e: {  	_ =	shalt  }
0x3f: {  	_ =	shalt  }
0x40: {  	_ =	shalt  }
0x41: {  	_ =	shalt  }
0x42: {  	_ =	shalt  }
0x43: {  	_ =	shalt  }
0x44: {  	_ =	shalt  }
0x45: {  	_ =	shalt  }
0x46: {  	_ =	shalt  }
0x47: {  	_ =	shalt  }
0x48: {  	_ =	shalt  }
0x49: {  	_ =	shalt  }
0x4a: {  	_ =	shalt  }
0x4b: {  	_ =	shalt  }
0x4c: {  	_ =	shalt  }
0x4d: {  	_ =	shalt  }
0x4e: {  	_ =	shalt  }
0x4f: {  	_ =	shalt  }
0x50: {  	_ =	shalt  }
0x51: {  	_ =	shalt  }
0x52: {  	_ =	shalt  }
0x53: {  	_ =	shalt  }
0x54: {  	_ =	shalt  }
0x55: {  	_ =	shalt  }
0x56: {  	_ =	shalt  }
0x57: {  	_ =	shalt  }
0x58: {  	_ =	shalt  }
0x59: {  	_ =	shalt  }
0x5a: {  	_ =	shalt  }
0x5b: {  	_ =	shalt  }
0x5c: {  	_ =	shalt  }
0x5d: {  	_ =	shalt  }
0x5e: {  	_ =	shalt  }
0x5f: {  	_ =	shalt  }
0x60: {  	_ =	shalt  }
0x61: {  	_ =	shalt  }
0x62: {  	_ =	shalt  }
0x63: {  	_ =	shalt  }
0x64: {  	_ =	shalt  }
0x65: {  	_ =	shalt  }
0x66: {  	_ =	shalt  }
0x67: {  	_ =	shalt  }
0x68: {  	_ =	shalt  }
0x69: {  	_ =	shalt  }
0x6a: {  	_ =	shalt  }
0x6b: {  	_ =	shalt  }
0x6c: {  	_ =	shalt  }
0x6d: {  	_ =	shalt  }
0x6e: {  	_ =	shalt  }
0x6f: {  	_ =	shalt  }
0x70: {  	_ =	shalt  }
0x71: {  	_ =	shalt  }
0x72: {  	_ =	shalt  }
0x73: {  	_ =	shalt  }
0x74: {  	_ =	shalt  }
0x75: {  	_ =	shalt  }
0x76: {  	_ =	shalt  }
0x77: {  	_ =	shalt  }
0x78: {  	_ =	shalt  }
0x79: {  	_ =	shalt  }
0x7a: {  	_ =	shalt  }
0x7b: {  	_ =	shalt  }
0x7c: {  	_ =	shalt  }
0x7d: {  	_ =	shalt  }
0x7e: {  	_ =	shalt  }
0x7f: {  	_ =	shalt  }
0x80: {  	_ =	shalt  }
0x81: {  	_ =	shalt  }
0x82: {  	_ =	shalt  }
0x83: {  	_ =	shalt  }
0x84: {  	_ =	shalt  }
0x85: {  	_ =	shalt  }
0x86: {  	_ =	shalt  }
0x87: {  	_ =	shalt  }
.Lfunc_end0:
.L_simem_size_0:
called_computation_lowered:
.L_overlay_start_0:
0x88: {  	s2 =	sld [smem:$0x3FD9]  }
0x89: {  	s3 =	sld [smem:$0x3FFE];
	_ =	sdelay $0x1  }
0x8a: {  	s1 =	srdreg.scid  }
0x8b: {  	s0 =	sand.u32 $0x1, s1  }
0x8c: {  	s17 =	sshll.u32 s0, $0xA;
	s2 =	sadd.s32 s3, s2  }
0x8d: {  	s2 =	sadd.s32 s2, s17  }
0x8e: {  	[smem:$0x3FB6] =	sst s2  }
0x8f: {  	_ = 	snop  }
0x90: {  	s2 =	sld [smem:$0x3FC9]  }
0x91: {  	s18 =	sld [smem:$0x3FD0];
	(tm) =	ssettm $0x1  }
0x92: {  	s4 =	sld [smem:$0x3FFB];
	_ =	sdelay $0x3  }
0x93: {  	_ =	strace s4  }
0x94: {  	s4 =	sld [smem:$0x3FFC];
	_ =	sdelay $0x3  }
0x95: {  	_ =	strace s4  }
0x96: {  	s4 =	sld [smem:$0x3FFD];
	_ =	sdelay $0x3  }
0x97: {  	_ =	strace s4  }
0x98: {  	_ =	strace $0x8FFFFFFF  }
0x99: {  	s19 =	sld [smem:$0x3FDB];
	_ =	sdelay $0x1  }
0x9a: {  	s5 =	simm.s32 $_scs_section_size  }
0x9b: {  	s6 =	simm.s32 $_size__tile_overlayer_lowered;
	s7 =	simm.s32 $_tile_overlayer_lowered  }
0x9c: {  	s22 =	simm.s32 $0x1BFF;
	s21 =	sshll.u32 s7, $0x1;
	s4 =	sadd.s32 s5, s19  }
0x9d: {  	s8 =	simm.s32 $0x0;
	s20 =	sshll.u32 s6, $0x1;
	s6 =	sadd.s32 s21, s4  }
0x9e: {  	[timem:s8], [sflag:s22] =	dma.local [hbm:s6], s20  }
0x9f: {  	_ =	swait.ge [sflag:s22], s20  }
0xa0: {  	s5 =	ssub.s32 $0x0, s20;
	[sflag:s22] =	ssyncset.done $0x0  }
0xa1: {  	[sflag:s22] =	ssyncadd.s32 s5;
	_ =	sdelay $0x1  }
0xa2: {  	s23 =	simm.s32 $0x1B8B  }
0xa3: {  	_ =	swait.ge [sflag:s23], $0x1  }
0xa4: {  	[sflag:s23] =	ssyncset.done $0x0  }
0xa5: {  	s25 =	simm.s32 $0x1B8E;
	s24 =	sld [smem:$0x3FFE];
	[sflag:s23] =	ssyncadd.s32 $0xFFFFFFFF  }
0xa6: {  	s26 =	simm.s32 $execute0_lowered;
	[smem:$0x3FD2] =	sst s25  }
0xa7: {  	s6 =	sshll.u32 s26, $0x1;
	_ =	strace $0x80000046;
	[dreg:$0x1] =	wrdreg $0xFFFFFFFF  }
0xa8: {  	s28 =	simm.s32 $_size_execute0_lowered;
	s4 =	sadd.s32 s4, s6;
	[dreg:$0x0] =	wrdreg $0x0  }
0xa9: {  	s6 =	sshll.u32 s28, $0x1;
	[dreg:$0x2] =	wrdreg s4  }
0xaa: {  	[dreg:$0x3] =	wrdreg s6  }
0xab: {  	[dreg:$0x4] =	wrdreg $0xC0  }
0xac: {  	_ =	task [dreg:s8], $0x5FFFF  }
0xad: {  	[dreg:$0x1] =	wrdreg $0xFFFFFFFF  }
0xae: {  	[dreg:$0x0] =	wrdreg $0x60  }
0xaf: {  	[dreg:$0x2] =	wrdreg s2  }
0xb0: {  	[dreg:$0x3] =	wrdreg s18  }
0xb1: {  	[dreg:$0x4] =	wrdreg s24  }
0xb2: {  	[dreg:$0x5] =	wrdreg $0xA8000  }
0xb3: {  	[dreg:$0x6] =	wrdreg $0x9  }
0xb4: {  	_ =	task.clear_ibuf [dreg:s8], $0x7FFFF;
	_ =	strace $0x90000046  }
0xb5: {  	s29 =	simm.s32 $0x9;
	_ =	strace $0x80000048  }
0xb6: {  	_ =	swait.ge [sflag:s29], $0x1  }
0xb7: {  	[sflag:s29] =	ssyncadd.s32 $0xFFFFFFFF  }
0xb8: {  	_ =	strace $0x90000048  }
0xb9: {  	_ =	sfence  }
0xba: {  	s30 =	sld [smem:$0x0];
	_ =	sdelay $0x2  }
0xbb: {  	s31 =	sshll.u32 s1, $0xD;
	s1 =	sshrl.u32 s1, $0x2  }
0xbc: {  	s3 =	sand.u32 $0x4000, s31;
	s1 =	sadd.s32 s1, s30  }
0xbd: {  	s0 =	sor.u32 s3, s0;
	s1 =	sshll.u32 s1, $0x11  }
0xbe: {  	s0 =	sor.u32 s1, s0  }
0xbf: {  	s0 =	sadd.s32 $0x8F2B, s0  }
0xc0: {  	[sflag:s0] =	ssyncadd.remote.s32 $0x1  }
0xc1: {  	_ =	sfence.sel $0xFFFF  }
0xc2: {  	[dreg:$0x0] =	wrdreg $0xFFFFFFFF;
	(pc) =	sbr.abs _section_cstart, $3  }
0xc3: {  	[dreg:$0x1] =	wrdreg $0xFFFFFFFF  }
0xc4: {  	_ =	task.clear_ibuf [dreg:s8], $0x2FFFF;
	_ =	strace $0x9FFFFFFF  }
0xc5: {  	(tm) =	ssettm $0x7FFFFFFF  }
tec
execute0_lowered:
.L_overlay_start_1:
0x0: {  	(tag) =	ssettag $0x1  }
0x1: {  	s1 =	rddreg [dreg:$0x0]  }
0x2: {  	s8 =	rddreg [dreg:$0x1]  }
0x3: {  	s5 =	rddreg [dreg:$0x2]  }
0x4: {  	s2 =	rddreg [dreg:$0x3]  }
0x5: {  	s3 =	srdreg.scid;
	s0 =	rddreg [dreg:$0x4]  }
0x6: {  	s4 =	simm.s32 $0x0;
	s16 =	simm.s32 $0x2800;
	s17 =	simm.s32 $0x3  }
0x7: {  	s18 =	simm.s32 $0x1400;
	s19 =	simm.s32 $0x80;
	s20 =	simm.s32 $0x6800  }
0x8: {  	s21 =	simm.s32 $0x1;
	s22 =	simm.s32 $0x2;
	s23 =	simm.s32 $0x1380  }
0x9: {  	s24 =	simm.s32 $0x2700;
	s6 =	sand.u32 $0x1, s3;
	s3 =	stileid.u32  }
0xa: {  	s25 =	simm.s32 $0x2780;
	[smem:$0x7FF] =	sst s4;
	s7 =	smul.u32 $0x140000, s6  }
0xb: {  	s10 =	sadd.s32 $0x3000, s5;
	s9 =	smul.u32 $0x14000, s3;
	s11 =	sshll.u32 s6, $0x4  }
0xc: {  	s28 =	smul.u32 $0x50000, s3;
	s6 =	ssub.s32 $0x2, s6;
	s26 =	sor.u32 s3, s11  }
0xd: {  	s29 =	sshrl.u32 s6, $0x1;
	s7 =	sadd.s32 s9, s7;
	s9 =	smul.u32 $0x2800, s26  }
0xe: {  	_ =	strace $0x80000047;
	s30 =	sshrl.u32 s28, $0x2;
	s31 =	ssub.s32 s6, s29  }
0xf: {  	s7 =	sshrl.u32 s7, $0x3;
	s11 =	smax.u32 s31, $0x1;
	s9 =	sshrl.u32 s9, $0x3  }
0x10: {  	s12 =	sadd.s32 s7, s5;
	s5 =	sadd.s32 s30, s2;
	s6 =	sadd.s32 s8, s9  }
0x11: {  	s7 =	sadd.s32 s10, s9;
	s9 =	sadd.s32 $0x280, s9;
	s13 =	sadd.s32 $0x8000, s5  }
0x12: {  	s14 =	sadd.s32 $0xC000, s5;
	s15 =	sadd.s32 $0x10000, s5;
	s8 =	sadd.s32 s8, s9  }
0x13: {  	v0 =	vimm.f32 $0.0e+00;
	s9 =	sadd.s32 s10, s9;
	s10 =	sadd.s32 $0xD000, s12;
	s12 =	sadd.s32 $0x4000, s5  }
.LBB2_1:
0x14: {  	s26 =	simm.s32 $0x0;
	s28 =	simm.s32 $0x200  }
.LBB2_2:
0x15: {  	p0 =	sne.s32 s28, $0xFE00;
	[tilespmem:s26+$0x2870] =	vst v0  }
0x16: {  	[tilespmem:s26+$0x2800] =	vst v0  }
0x17: {  	[tilespmem:s26+$0x2810] =	vst v0  }
.Ltmp0:
0x18: {  	[tilespmem:s26+$0x2820] =	vst v0;
	(pc) =	sbr.rel @p0 .LBB2_2-.Ltmp0, $4  }
0x19: {  	[tilespmem:s26+$0x2830] =	vst v0  }
0x1a: {  	[tilespmem:s26+$0x2840] =	vst v0  }
0x1b: {  	[tilespmem:s26+$0x2850] =	vst v0  }
0x1c: {  	[tilespmem:s26+$0x2860] =	vst v0;
	s26 =	sshra.s32 s28, $0x2;
	s28 =	sadd.s32 $0x200, s28  }
0x1d: {  	[tilespmem:s26+$0x2870] =	vst v0  }
0x1e: {  	[tilespmem:s26+$0x2800] =	vst v0  }
0x1f: {  	[tilespmem:s26+$0x2810] =	vst v0  }
0x20: {  	[tilespmem:s26+$0x2820] =	vst v0  }
0x21: {  	[tilespmem:s26+$0x2830] =	vst v0  }
0x22: {  	[tilespmem:s26+$0x2840] =	vst v0  }
0x23: {  	[tilespmem:s26+$0x2850] =	vst v0  }
0x24: {  	[tilespmem:s26+$0x2860] =	vst v0  }
0x25: {  	[spmem:s5] =	stream.linear.scatter [tilespmem:s16], [sflag:$0x3], $0x4000, $0x38;
	[tilespmem:$0x1E800] =	vst v63  }
0x26: {  	_ =	swait.ge [sflag:s17], $0x4000  }
0x27: {  	[sflag:s17] =	ssyncset.done $0x0  }
0x28: {  	[sflag:s17] =	ssyncadd.s32 $0xFFFFC000  }
0x29: {  	[spmem:s12] =	stream.linear.scatter [tilespmem:s16], [sflag:$0x3], $0x4000, $0x38;
	[tilespmem:$0x1E800] =	vst v63  }
0x2a: {  	_ =	swait.ge [sflag:s17], $0x4000  }
0x2b: {  	[sflag:s17] =	ssyncset.done $0x0  }
0x2c: {  	[sflag:s17] =	ssyncadd.s32 $0xFFFFC000  }
0x2d: {  	[spmem:s13] =	stream.linear.scatter [tilespmem:s16], [sflag:$0x3], $0x4000, $0x38;
	[tilespmem:$0x1E800] =	vst v63  }
0x2e: {  	_ =	swait.ge [sflag:s17], $0x4000  }
0x2f: {  	[sflag:s17] =	ssyncset.done $0x0  }
0x30: {  	[sflag:s17] =	ssyncadd.s32 $0xFFFFC000  }
0x31: {  	[spmem:s14] =	stream.linear.scatter [tilespmem:s16], [sflag:$0x3], $0x4000, $0x38;
	[tilespmem:$0x1E800] =	vst v63  }
0x32: {  	_ =	swait.ge [sflag:s17], $0x4000  }
0x33: {  	[sflag:s17] =	ssyncset.done $0x0  }
0x34: {  	[sflag:s17] =	ssyncadd.s32 $0xFFFFC000  }
0x35: {  	[spmem:s15] =	stream.linear.scatter [tilespmem:s16], [sflag:$0x3], $0x4000, $0x38;
	[tilespmem:$0x1E800] =	vst v63  }
0x36: {  	_ =	swait.ge [sflag:s17], $0x4000  }
0x37: {  	[sflag:s17] =	ssyncset.done $0x0  }
0x38: {  	[sflag:s17] =	ssyncadd.s32 $0xFFFFC000  }
0x39: {  	s30 =	simm.s32 $0x0;
	[bflag:$0x0] =	sbarrier.arrive $0xFFFF  }
0x3a: {  	[tilespmem:s30], [sflag:$0x3] =	stream.linear.gather [hbm4b:s6+s30], $0x1400, $0x38;
	[tilespmem:$0x1E800] =	vst v63  }
0x3b: {  	_ =	swait.ge [sflag:s17], $0x1400  }
0x3c: {  	[sflag:s17] =	ssyncset.done $0x0  }
0x3d: {  	[sflag:s17] =	ssyncadd.s32 $0xFFFFEC00  }
0x3e: {  	[tilespmem:s18], [sflag:$0x3] =	stream.linear.gather [hbm4b:s7+s30], $0x1400, $0x38;
	[tilespmem:$0x1E800] =	vst v63  }
0x3f: {  	_ =	swait.ge [sflag:s17], $0x1400  }
0x40: {  	[sflag:s17] =	ssyncset.done $0x0  }
0x41: {  	[sflag:s17] =	ssyncadd.s32 $0xFFFFEC00  }
0x42: {  	[tilespmem:s16], [sflag:$0x1] =	stream.indirect.gather [hbm4b:s1+s19], $0x80, s30, s19, $0xb8;
	[tilespmem:$0x1E800] =	vst v63  }
0x43: {  	s31 =	simm.s32 $0x80  }
0x44: {  	[tilespmem:s20], [sflag:$0x2] =	stream.indirect.gather [hbm4b:s1+s19], $0x80, s31, s19, $0xb8;
	[tilespmem:$0x1E800] =	vst v63  }
0x45: {  	_ =	swait.ge [sflag:s21], $0x4000  }
0x46: {  	[sflag:s21] =	ssyncset.done $0x0  }
0x47: {  	s29 =	simm.s32 $0x1400;
	[sflag:s21] =	ssyncadd.s32 $0xFFFFC000  }
0x48: {  	[spmem:s2] =	stream.indirect.scatter.add.f32 [tilespmem:s16], [sflag:$0x3], $0x80, s29, s19, $0xb8;
	[tilespmem:$0x1E800] =	vst v63  }
0x49: {  	_ =	swait.ge [sflag:s17], $0x4000  }
0x4a: {  	[sflag:s17] =	ssyncset.done $0x0  }
0x4b: {  	s30 =	simm.s32 $0x100;
	[sflag:s17] =	ssyncadd.s32 $0xFFFFC000  }
0x4c: {  	[tilespmem:s16], [sflag:$0x1] =	stream.indirect.gather [hbm4b:s1+s19], $0x80, s30, s19, $0xb8;
	[tilespmem:$0x1E800] =	vst v63  }
0x4d: {  	_ =	swait.ge [sflag:s22], $0x4000  }
0x4e: {  	[sflag:s22] =	ssyncset.done $0x0  }
0x4f: {  	s31 =	simm.s32 $0x1480;
	[sflag:s22] =	ssyncadd.s32 $0xFFFFC000  }
0x50: {  	[spmem:s2] =	stream.indirect.scatter.add.f32 [tilespmem:s20], [sflag:$0x3], $0x80, s31, s19, $0xb8;
	[tilespmem:$0x1E800] =	vst v63  }
0x51: {  	_ =	swait.ge [sflag:s17], $0x4000  }
0x52: {  	s28 =	simm.s32 $0x800;
	s26 =	simm.s32 $0x100;
	[sflag:s17] =	ssyncset.done $0x0  }
.LBB2_4:
0x53: {  	s29 =	sadd.s32 $0x80, s26  }
0x54: {  	[sflag:s17] =	ssyncadd.s32 $0xFFFFC000;
	s30 =	smov.u32 s28;
	s31 =	sadd.s32 $0x400, s28  }
0x55: {  	[tilespmem:s20], [sflag:$0x2] =	stream.indirect.gather [hbm4b:s1+s19], $0x80, s29, s19, $0xb8;
	[tilespmem:$0x1E800] =	vst v63  }
0x56: {  	p0 =	sne.s32 s28, $0x4800;
	_ =	swait.ge [sflag:s21], $0x4000  }
0x57: {  	[sflag:s21] =	ssyncset.done $0x0  }
0x58: {  	s28 =	sadd.s32 $0x1400, s26;
	[sflag:s21] =	ssyncadd.s32 $0xFFFFC000  }
0x59: {  	[spmem:s2] =	stream.indirect.scatter.add.f32 [tilespmem:s16], [sflag:$0x3], $0x80, s28, s19, $0xb8;
	[tilespmem:$0x1E800] =	vst v63  }
0x5a: {  	_ =	swait.ge [sflag:s17], $0x4000  }
0x5b: {  	[sflag:s17] =	ssyncset.done $0x0  }
0x5c: {  	s28 =	sadd.s32 $0x100, s26;
	[sflag:s17] =	ssyncadd.s32 $0xFFFFC000  }
0x5d: {  	[tilespmem:s16], [sflag:$0x1] =	stream.indirect.gather [hbm4b:s1+s19], $0x80, s28, s19, $0xb8;
	[tilespmem:$0x1E800] =	vst v63  }
0x5e: {  	_ =	swait.ge [sflag:s22], $0x4000  }
.Ltmp1:
0x5f: {  	[sflag:s22] =	ssyncset.done $0x0;
	(pc) =	sbr.rel @p0 .LBB2_4-.Ltmp1, $4  }
0x60: {  	s26 =	sadd.s32 $0x1480, s26;
	[sflag:s22] =	ssyncadd.s32 $0xFFFFC000  }
0x61: {  	[spmem:s2] =	stream.indirect.scatter.add.f32 [tilespmem:s20], [sflag:$0x3], $0x80, s26, s19, $0xb8;
	[tilespmem:$0x1E800] =	vst v63  }
0x62: {  	_ =	swait.ge [sflag:s17], $0x4000  }
0x63: {  	s28 =	smov.u32 s31;
	s26 =	sshra.s32 s30, $0x2;
	[sflag:s17] =	ssyncset.done $0x0  }
0x64: {  	s28 =	sadd.s32 $0x80, s26;
	[sflag:s17] =	ssyncadd.s32 $0xFFFFC000  }
0x65: {  	[tilespmem:s20], [sflag:$0x2] =	stream.indirect.gather [hbm4b:s1+s19], $0x80, s28, s19, $0xb8;
	[tilespmem:$0x1E800] =	vst v63  }
0x66: {  	_ =	swait.ge [sflag:s21], $0x4000  }
0x67: {  	[sflag:s21] =	ssyncset.done $0x0  }
0x68: {  	s28 =	sadd.s32 $0x1400, s26;
	[sflag:s21] =	ssyncadd.s32 $0xFFFFC000  }
0x69: {  	[spmem:s2] =	stream.indirect.scatter.add.f32 [tilespmem:s16], [sflag:$0x3], $0x80, s28, s19, $0xb8;
	[tilespmem:$0x1E800] =	vst v63  }
0x6a: {  	_ =	swait.ge [sflag:s17], $0x4000  }
0x6b: {  	[sflag:s17] =	ssyncset.done $0x0  }
0x6c: {  	s28 =	sadd.s32 $0x100, s26;
	[sflag:s17] =	ssyncadd.s32 $0xFFFFC000  }
0x6d: {  	[tilespmem:s16], [sflag:$0x1] =	stream.indirect.gather [hbm4b:s1+s19], $0x80, s28, s19, $0xb8;
	[tilespmem:$0x1E800] =	vst v63  }
0x6e: {  	_ =	swait.ge [sflag:s22], $0x4000  }
0x6f: {  	[sflag:s22] =	ssyncset.done $0x0  }
0x70: {  	s29 =	sadd.s32 $0x1480, s26;
	[sflag:s22] =	ssyncadd.s32 $0xFFFFC000  }
0x71: {  	[spmem:s2] =	stream.indirect.scatter.add.f32 [tilespmem:s20], [sflag:$0x3], $0x80, s29, s19, $0xb8;
	[tilespmem:$0x1E800] =	vst v63  }
0x72: {  	_ =	swait.ge [sflag:s17], $0x4000  }
0x73: {  	[sflag:s17] =	ssyncset.done $0x0  }
0x74: {  	[sflag:s17] =	ssyncadd.s32 $0xFFFFC000  }
0x75: {  	[tilespmem:s20], [sflag:$0x2] =	stream.indirect.gather [hbm4b:s1+s19], $0x80, s23, s19, $0xb8;
	[tilespmem:$0x1E800] =	vst v63  }
0x76: {  	_ =	swait.ge [sflag:s21], $0x4000  }
0x77: {  	[sflag:s21] =	ssyncset.done $0x0  }
0x78: {  	[sflag:s21] =	ssyncadd.s32 $0xFFFFC000  }
0x79: {  	[spmem:s2] =	stream.indirect.scatter.add.f32 [tilespmem:s16], [sflag:$0x3], $0x80, s24, s19, $0xb8;
	[tilespmem:$0x1E800] =	vst v63  }
0x7a: {  	_ =	swait.ge [sflag:s17], $0x4000  }
0x7b: {  	[sflag:s17] =	ssyncset.done $0x0  }
0x7c: {  	[sflag:s17] =	ssyncadd.s32 $0xFFFFC000  }
0x7d: {  	_ =	swait.ge [sflag:s22], $0x4000  }
0x7e: {  	[sflag:s22] =	ssyncset.done $0x0  }
0x7f: {  	[sflag:s22] =	ssyncadd.s32 $0xFFFFC000  }
0x80: {  	[spmem:s2] =	stream.indirect.scatter.add.f32 [tilespmem:s20], [sflag:$0x3], $0x80, s25, s19, $0xb8;
	[tilespmem:$0x1E800] =	vst v63  }
0x81: {  	_ =	swait.ge [sflag:s17], $0x4000  }
0x82: {  	[sflag:s17] =	ssyncset.done $0x0  }
0x83: {  	s30 =	simm.s32 $0x0;
	[sflag:s17] =	ssyncadd.s32 $0xFFFFC000  }
0x84: {  	[tilespmem:s30], [sflag:$0x3] =	stream.linear.gather [hbm4b:s8+s30], $0x1400, $0x38;
	[tilespmem:$0x1E800] =	vst v63  }
0x85: {  	_ =	swait.ge [sflag:s17], $0x1400  }
0x86: {  	[sflag:s17] =	ssyncset.done $0x0  }
0x87: {  	[sflag:s17] =	ssyncadd.s32 $0xFFFFEC00  }
0x88: {  	[tilespmem:s18], [sflag:$0x3] =	stream.linear.gather [hbm4b:s9+s30], $0x1400, $0x38;
	[tilespmem:$0x1E800] =	vst v63  }
0x89: {  	_ =	swait.ge [sflag:s17], $0x1400  }
0x8a: {  	[sflag:s17] =	ssyncset.done $0x0  }
0x8b: {  	[sflag:s17] =	ssyncadd.s32 $0xFFFFEC00  }
0x8c: {  	[tilespmem:s16], [sflag:$0x1] =	stream.indirect.gather [hbm4b:s1+s19], $0x80, s30, s19, $0xb8;
	[tilespmem:$0x1E800] =	vst v63  }
0x8d: {  	s31 =	simm.s32 $0x80  }
0x8e: {  	[tilespmem:s20], [sflag:$0x2] =	stream.indirect.gather [hbm4b:s1+s19], $0x80, s31, s19, $0xb8;
	[tilespmem:$0x1E800] =	vst v63  }
0x8f: {  	_ =	swait.ge [sflag:s21], $0x4000  }
0x90: {  	[sflag:s21] =	ssyncset.done $0x0  }
0x91: {  	s29 =	simm.s32 $0x1400;
	[sflag:s21] =	ssyncadd.s32 $0xFFFFC000  }
0x92: {  	[spmem:s2] =	stream.indirect.scatter.add.f32 [tilespmem:s16], [sflag:$0x3], $0x80, s29, s19, $0xb8;
	[tilespmem:$0x1E800] =	vst v63  }
0x93: {  	_ =	swait.ge [sflag:s17], $0x4000  }
0x94: {  	[sflag:s17] =	ssyncset.done $0x0  }
0x95: {  	s30 =	simm.s32 $0x100;
	[sflag:s17] =	ssyncadd.s32 $0xFFFFC000  }
0x96: {  	[tilespmem:s16], [sflag:$0x1] =	stream.indirect.gather [hbm4b:s1+s19], $0x80, s30, s19, $0xb8;
	[tilespmem:$0x1E800] =	vst v63  }
0x97: {  	_ =	swait.ge [sflag:s22], $0x4000  }
0x98: {  	[sflag:s22] =	ssyncset.done $0x0  }
0x99: {  	s31 =	simm.s32 $0x1480;
	[sflag:s22] =	ssyncadd.s32 $0xFFFFC000  }
0x9a: {  	[spmem:s2] =	stream.indirect.scatter.add.f32 [tilespmem:s20], [sflag:$0x3], $0x80, s31, s19, $0xb8;
	[tilespmem:$0x1E800] =	vst v63  }
0x9b: {  	_ =	swait.ge [sflag:s17], $0x4000  }
0x9c: {  	s26 =	simm.s32 $0x100;
	s28 =	simm.s32 $0x800;
	[sflag:s17] =	ssyncset.done $0x0  }
.LBB2_6:
0x9d: {  	s29 =	sadd.s32 $0x80, s26  }
0x9e: {  	[sflag:s17] =	ssyncadd.s32 $0xFFFFC000;
	s30 =	smov.u32 s28;
	s31 =	sadd.s32 $0x400, s28  }
0x9f: {  	[tilespmem:s20], [sflag:$0x2] =	stream.indirect.gather [hbm4b:s1+s19], $0x80, s29, s19, $0xb8;
	[tilespmem:$0x1E800] =	vst v63  }
0xa0: {  	p0 =	sne.s32 s28, $0x4800;
	_ =	swait.ge [sflag:s21], $0x4000  }
0xa1: {  	[sflag:s21] =	ssyncset.done $0x0  }
0xa2: {  	s28 =	sadd.s32 $0x1400, s26;
	[sflag:s21] =	ssyncadd.s32 $0xFFFFC000  }
0xa3: {  	[spmem:s2] =	stream.indirect.scatter.add.f32 [tilespmem:s16], [sflag:$0x3], $0x80, s28, s19, $0xb8;
	[tilespmem:$0x1E800] =	vst v63  }
0xa4: {  	_ =	swait.ge [sflag:s17], $0x4000  }
0xa5: {  	[sflag:s17] =	ssyncset.done $0x0  }
0xa6: {  	s28 =	sadd.s32 $0x100, s26;
	[sflag:s17] =	ssyncadd.s32 $0xFFFFC000  }
0xa7: {  	[tilespmem:s16], [sflag:$0x1] =	stream.indirect.gather [hbm4b:s1+s19], $0x80, s28, s19, $0xb8;
	[tilespmem:$0x1E800] =	vst v63  }
0xa8: {  	_ =	swait.ge [sflag:s22], $0x4000  }
.Ltmp2:
0xa9: {  	[sflag:s22] =	ssyncset.done $0x0;
	(pc) =	sbr.rel @p0 .LBB2_6-.Ltmp2, $4  }
0xaa: {  	s26 =	sadd.s32 $0x1480, s26;
	[sflag:s22] =	ssyncadd.s32 $0xFFFFC000  }
0xab: {  	[spmem:s2] =	stream.indirect.scatter.add.f32 [tilespmem:s20], [sflag:$0x3], $0x80, s26, s19, $0xb8;
	[tilespmem:$0x1E800] =	vst v63  }
0xac: {  	_ =	swait.ge [sflag:s17], $0x4000  }
0xad: {  	s28 =	smov.u32 s31;
	s26 =	sshra.s32 s30, $0x2;
	[sflag:s17] =	ssyncset.done $0x0  }
0xae: {  	s28 =	sadd.s32 $0x80, s26;
	[sflag:s17] =	ssyncadd.s32 $0xFFFFC000  }
0xaf: {  	[tilespmem:s20], [sflag:$0x2] =	stream.indirect.gather [hbm4b:s1+s19], $0x80, s28, s19, $0xb8;
	[tilespmem:$0x1E800] =	vst v63  }
0xb0: {  	_ =	swait.ge [sflag:s21], $0x4000  }
0xb1: {  	[sflag:s21] =	ssyncset.done $0x0  }
0xb2: {  	s30 =	sadd.s32 $0x1400, s26;
	[sflag:s21] =	ssyncadd.s32 $0xFFFFC000  }
0xb3: {  	[spmem:s2] =	stream.indirect.scatter.add.f32 [tilespmem:s16], [sflag:$0x3], $0x80, s30, s19, $0xb8;
	[tilespmem:$0x1E800] =	vst v63  }
0xb4: {  	_ =	swait.ge [sflag:s17], $0x4000  }
0xb5: {  	[sflag:s17] =	ssyncset.done $0x0  }
0xb6: {  	s31 =	sadd.s32 $0x100, s26;
	[sflag:s17] =	ssyncadd.s32 $0xFFFFC000  }
0xb7: {  	[tilespmem:s16], [sflag:$0x1] =	stream.indirect.gather [hbm4b:s1+s19], $0x80, s31, s19, $0xb8;
	[tilespmem:$0x1E800] =	vst v63  }
0xb8: {  	_ =	swait.ge [sflag:s22], $0x4000  }
0xb9: {  	[sflag:s22] =	ssyncset.done $0x0  }
0xba: {  	s29 =	sadd.s32 $0x1480, s26;
	[sflag:s22] =	ssyncadd.s32 $0xFFFFC000  }
0xbb: {  	[spmem:s2] =	stream.indirect.scatter.add.f32 [tilespmem:s20], [sflag:$0x3], $0x80, s29, s19, $0xb8;
	[tilespmem:$0x1E800] =	vst v63  }
0xbc: {  	_ =	swait.ge [sflag:s17], $0x4000  }
0xbd: {  	[sflag:s17] =	ssyncset.done $0x0  }
0xbe: {  	[sflag:s17] =	ssyncadd.s32 $0xFFFFC000  }
0xbf: {  	[tilespmem:s20], [sflag:$0x2] =	stream.indirect.gather [hbm4b:s1+s19], $0x80, s23, s19, $0xb8;
	[tilespmem:$0x1E800] =	vst v63  }
0xc0: {  	_ =	swait.ge [sflag:s21], $0x4000  }
0xc1: {  	[sflag:s21] =	ssyncset.done $0x0  }
0xc2: {  	[sflag:s21] =	ssyncadd.s32 $0xFFFFC000  }
0xc3: {  	[spmem:s2] =	stream.indirect.scatter.add.f32 [tilespmem:s16], [sflag:$0x3], $0x80, s24, s19, $0xb8;
	[tilespmem:$0x1E800] =	vst v63  }
0xc4: {  	_ =	swait.ge [sflag:s17], $0x4000  }
0xc5: {  	[sflag:s17] =	ssyncset.done $0x0  }
0xc6: {  	[sflag:s17] =	ssyncadd.s32 $0xFFFFC000  }
0xc7: {  	_ =	swait.ge [sflag:s22], $0x4000  }
0xc8: {  	[sflag:s22] =	ssyncset.done $0x0  }
0xc9: {  	[sflag:s22] =	ssyncadd.s32 $0xFFFFC000  }
0xca: {  	[spmem:s2] =	stream.indirect.scatter.add.f32 [tilespmem:s20], [sflag:$0x3], $0x80, s25, s19, $0xb8;
	[tilespmem:$0x1E800] =	vst v63  }
0xcb: {  	_ =	swait.ge [sflag:s17], $0x4000  }
0xcc: {  	s4 =	sadd.s32 $0x1, s4;
	s30 =	sshll.u32 s3, $0x6;
	[sflag:s17] =	ssyncset.done $0x0  }
0xcd: {  	p0 =	sne.s32 s4, s11;
	s26 =	sor.u32 $0x1C03, s30;
	[sflag:s17] =	ssyncadd.s32 $0xFFFFC000  }
.Ltmp3:
0xce: {  	s31 =	sshrl.u32 s5, $0x3;
	[bflag:$0x0] =	sbarrier.arrive $0xFFFF;
	(pc) =	sbr.rel @p0 .LBB2_1-.Ltmp3, $4  }
0xcf: {  	[hbm:s10], [sflag:s26] =	dma.local [spmem:s31], $0x2800  }
0xd0: {  	_ =	swait.ge [sflag:s17], $0x2800  }
0xd1: {  	[sflag:s17] =	ssyncset.done $0x0  }
0xd2: {  	[sflag:s17] =	ssyncadd.s32 $0xFFFFD800  }
0xd3: {  	_ =	sfence.sel $0x180000  }
0xd4: {  	[bflag:$0x0] =	sbarrier.arrive $0xFFFF  }
0xd5: {  	p0 =	sne.s32 s3, $0x0;
	_ =	strace $0x90000047  }
0xd6: {  	s0 =	sadd.s32 @!p0 $0x100000, s0;
	[bflag:$0x2] =	sbarrier.arrive $0xFFFF  }
0xd7: {  	[sflag:s0] =	ssyncadd.tile.s32 @!p0 $0x1;
	_ =	shalt  }
.Lfunc_end2:
_tile_overlayer_lowered:
.L_overlay_start_2:
0xd8: {  	(tag) =	ssettag $0x2  }
0xd9: {  	s0 =	rddreg [dreg:$0x0];
	s2 =	stileid.u32  }
0xda: {  	s1 =	rddreg [dreg:$0x1];
	p0 =	sne.s32 s2, $0x0  }
0xdb: {  	s3 =	rddreg [dreg:$0x2];
	[bflag:$0x3] =	sbarrier.arrive $0xFFFF;
	s2 =	simm.s32 @!p0 $0x1C03  }
0xdc: {  	[timem:s3], [sflag:s2] =	dma.local @!p0 [hbm:s0], s1  }
0xdd: {  	s0 =	simm.s32 @!p0 $0x3  }
0xde: {  	_ =	swait.ge @!p0 [sflag:s0], s1  }
0xdf: {  	s1 =	ssub.s32 @!p0 $0x0, s1;
	[sflag:s0] =	ssyncset.done @!p0 $0x0  }
0xe0: {  	[sflag:s0] =	ssyncadd.s32 @!p0 s1  }
0xe1: {  	[bflag:$0x3] =	sbarrier.arrive $0xFFFF  }
0xe2: {  	_ =	shalt  }

// kernel: kernel.9.cloned.1.call-start
scs
__scs_entry_jumppad:
0x0: {  	(pc) =	sbr.rel $0x88, $3  }
0x1: {  	(tag) =	ssettag $0x0;
	lr =	simm.s32 $0x1  }
0x2: {  	[smem:$0x3F8F] =	sst lr;
	_ =	strace $0xD0000000  }
0x3: {  	_ = 	snop  }
0x4: {  	_ = 	snop  }
0x5: {  	_ = 	snop  }
0x6: {  	_ = 	snop  }
0x7: {  	_ = 	snop  }
__scs_overlays_trampoline_lowered:
0x8: {  	[smem:$0x3F9E] =	sst s0  }
0x9: {  	[smem:$0x3F9F] =	sst s1  }
0xa: {  	[smem:$0x3FA0] =	sst s2  }
0xb: {  	[smem:$0x3FA1] =	sst s3  }
0xc: {  	[smem:$0x3FA2] =	sst s4  }
0xd: {  	[smem:$0x3FA3] =	sst s5  }
0xe: {  	[smem:$0x3FA4] =	sst s6  }
0xf: {  	[smem:$0x3FA5] =	sst s7  }
0x10: {  	[smem:$0x3FA6] =	sst s8  }
0x11: {  	[smem:$0x3FA7] =	sst s9;
	s0 =	simm.s32 @!p0 $0x0  }
0x12: {  	s1 =	sld [smem:$0x3F8D];
	s0 =	simm.s32 @p0 $0x1  }
0x13: {  	[smem:$0x3FA8] =	sst s0;
	s0 =	simm.s32 @!p1 $0x0  }
0x14: {  	s2 =	sld [smem:$0x3F8C];
	s0 =	simm.s32 @p1 $0x1  }
0x15: {  	[smem:$0x3FA9] =	sst s0;
	s0 =	simm.s32 @!p2 $0x0  }
0x16: {  	s3 =	sld [smem:$0x3FDB];
	s0 =	simm.s32 @p2 $0x1  }
0x17: {  	s4 =	simm.s32 $0x1BF5;
	[smem:$0x3FAB] =	sst s0  }
0x18: {  	s0 =	sld [smem:$0x3F8E];
	_ =	swait.ge [sflag:s4], $0x0  }
0x19: {  	s7 =	sld [smem:$0x3F8F]  }
0x1a: {  	s8 =	sadd.s32 $0xFFFFE003, lr  }
0x1b: {  	s9 =	sadd.s32 $0xFFFFFEF7, lr;
	s5 =	simm.s32 $0xFFFFFFFF;
	p2 =	slt.u32 s8, $0xFFFFF086  }
0x1c: {  	p1 =	slt.u32 s9, $0xF7A;
	s5 =	simm.s32 @!p2 $0x0  }
0x1d: {  	s5 =	simm.s32 @p1 $0x1;
	p0 =	seq.s32 s7, s2  }
0x1e: {  	s7 =	smul.u32 @!p0 $0xF7A, s2;
	p2 =	seq.s32 @!p0 s5, $0x0  }
0x1f: {  	s9 =	smul.u32 $0xF7A, s1;
	s8 =	simm.s32 @!p0 $0x1BF5;
	p2 =	por !p2, p0  }
0x20: {  	[sflag:s8] =	ssyncset.s32 @!p0 $0xFFFFF086;
	s6 =	sadd.s32 @!p0 s3, s7;
	s7 =	simm.s32 @!p0 $0x108  }
0x21: {  	s3 =	sadd.s32 s3, s9;
	s6 =	sadd.s32 @!p0 $0x88, s6;
	s7 =	simm.s32 @p2 $0x1082  }
0x22: {  	[simem:s7], [sflag:s8] =	dma.local @!p0 [hbm:s6], $0xF7A  }
0x23: {  	s9 =	sor.u32 $0xD0000000, s2;
	s6 =	simm.s32 $0x108;
	_ =	swait.ge @!p0 [sflag:s8], $0x0  }
0x24: {  	s3 =	sadd.s32 $0x88, s3;
	s6 =	simm.s32 @!p1 $0x1082;
	[sflag:s4] =	ssyncset.s32 $0xFFFFF086  }
0x25: {  	[simem:s6], [sflag:s4] =	dma.local [hbm:s3], $0xF7A  }
0x26: {  	[smem:$0x3F8F] =	sst s1;
	(tag) =	ssettag s2;
	_ =	strace s9  }
0x27: {  	s1 =	sld [smem:$0x3F9F]  }
0x28: {  	s2 =	sld [smem:$0x3FA0]  }
0x29: {  	s4 =	sld [smem:$0x3FA2]  }
0x2a: {  	p0 =	seq.s32 s5, $0x0;
	s5 =	sld [smem:$0x3FA3]  }
0x2b: {  	s6 =	sld [smem:$0x3FA4]  }
0x2c: {  	s7 =	sld [smem:$0x3FA5]  }
0x2d: {  	s3 =	simm.s32 $0x108;
	s8 =	sld [smem:$0x3FA6]  }
0x2e: {  	s3 =	simm.s32 @!p0 $0x1082;
	s9 =	sld [smem:$0x3FA7]  }
0x2f: {  	lr =	sadd.s32 s0, s3;
	s0 =	sld [smem:$0x3F9E]  }
0x30: {  	s3 =	sld [smem:$0x3FA1]  }
0x31: {  	[smem:$0x3FAA] =	sst s10  }
0x32: {  	s10 =	sld [smem:$0x3FA8];
	_ =	sdelay $0x3  }
0x33: {  	p0 =	seq.s32 s10, $0x1;
	s10 =	sld [smem:$0x3FAA];
	_ =	sdelay $0x3  }
0x34: {  	[smem:$0x3FAA] =	sst s10  }
0x35: {  	s10 =	sld [smem:$0x3FA9];
	_ =	sdelay $0x3  }
0x36: {  	p1 =	seq.s32 s10, $0x1;
	s10 =	sld [smem:$0x3FAA];
	_ =	sdelay $0x3  }
0x37: {  	[smem:$0x3FAA] =	sst s10  }
0x38: {  	s10 =	sld [smem:$0x3FAB]  }
0x39: {  	_ = 	snop;
	(pc) =	sbr.ind lr, $3  }
0x3a: {  	_ = 	snop  }
0x3b: {  	_ = 	snop  }
0x3c: {  	p2 =	seq.s32 s10, $0x1;
	s10 =	sld [smem:$0x3FAA]  }
0x3d: {  	_ =	shalt  }
0x3e: {  	_ =	shalt  }
0x3f: {  	_ =	shalt  }
0x40: {  	_ =	shalt  }
0x41: {  	_ =	shalt  }
0x42: {  	_ =	shalt  }
0x43: {  	_ =	shalt  }
0x44: {  	_ =	shalt  }
0x45: {  	_ =	shalt  }
0x46: {  	_ =	shalt  }
0x47: {  	_ =	shalt  }
0x48: {  	_ =	shalt  }
0x49: {  	_ =	shalt  }
0x4a: {  	_ =	shalt  }
0x4b: {  	_ =	shalt  }
0x4c: {  	_ =	shalt  }
0x4d: {  	_ =	shalt  }
0x4e: {  	_ =	shalt  }
0x4f: {  	_ =	shalt  }
0x50: {  	_ =	shalt  }
0x51: {  	_ =	shalt  }
0x52: {  	_ =	shalt  }
0x53: {  	_ =	shalt  }
0x54: {  	_ =	shalt  }
0x55: {  	_ =	shalt  }
0x56: {  	_ =	shalt  }
0x57: {  	_ =	shalt  }
0x58: {  	_ =	shalt  }
0x59: {  	_ =	shalt  }
0x5a: {  	_ =	shalt  }
0x5b: {  	_ =	shalt  }
0x5c: {  	_ =	shalt  }
0x5d: {  	_ =	shalt  }
0x5e: {  	_ =	shalt  }
0x5f: {  	_ =	shalt  }
0x60: {  	_ =	shalt  }
0x61: {  	_ =	shalt  }
0x62: {  	_ =	shalt  }
0x63: {  	_ =	shalt  }
0x64: {  	_ =	shalt  }
0x65: {  	_ =	shalt  }
0x66: {  	_ =	shalt  }
0x67: {  	_ =	shalt  }
0x68: {  	_ =	shalt  }
0x69: {  	_ =	shalt  }
0x6a: {  	_ =	shalt  }
0x6b: {  	_ =	shalt  }
0x6c: {  	_ =	shalt  }
0x6d: {  	_ =	shalt  }
0x6e: {  	_ =	shalt  }
0x6f: {  	_ =	shalt  }
0x70: {  	_ =	shalt  }
0x71: {  	_ =	shalt  }
0x72: {  	_ =	shalt  }
0x73: {  	_ =	shalt  }
0x74: {  	_ =	shalt  }
0x75: {  	_ =	shalt  }
0x76: {  	_ =	shalt  }
0x77: {  	_ =	shalt  }
0x78: {  	_ =	shalt  }
0x79: {  	_ =	shalt  }
0x7a: {  	_ =	shalt  }
0x7b: {  	_ =	shalt  }
0x7c: {  	_ =	shalt  }
0x7d: {  	_ =	shalt  }
0x7e: {  	_ =	shalt  }
0x7f: {  	_ =	shalt  }
0x80: {  	_ =	shalt  }
0x81: {  	_ =	shalt  }
0x82: {  	_ =	shalt  }
0x83: {  	_ =	shalt  }
0x84: {  	_ =	shalt  }
0x85: {  	_ =	shalt  }
0x86: {  	_ =	shalt  }
0x87: {  	_ =	shalt  }
.Lfunc_end0:
.L_simem_size_0:
called_computation.1_lowered:
.L_overlay_start_0:
0x88: {  	s2 =	sld [smem:$0x3FD9]  }
0x89: {  	s3 =	sld [smem:$0x3FFE];
	_ =	sdelay $0x1  }
0x8a: {  	s1 =	srdreg.scid  }
0x8b: {  	s0 =	sand.u32 $0x1, s1  }
0x8c: {  	s17 =	sshll.u32 s0, $0xA;
	s2 =	sadd.s32 s3, s2  }
0x8d: {  	s2 =	sadd.s32 s2, s17  }
0x8e: {  	[smem:$0x3FB6] =	sst s2  }
0x8f: {  	_ = 	snop  }
0x90: {  	s2 =	sld [smem:$0x3FD0];
	(tm) =	ssettm $0x1  }
0x91: {  	s18 =	sld [smem:$0x3FFB];
	_ =	sdelay $0x3  }
0x92: {  	_ =	strace s18  }
0x93: {  	s3 =	sld [smem:$0x3FFC];
	_ =	sdelay $0x3  }
0x94: {  	_ =	strace s3  }
0x95: {  	s3 =	sld [smem:$0x3FFD];
	_ =	sdelay $0x3  }
0x96: {  	_ =	strace s3  }
0x97: {  	_ =	strace $0x8FFFFFFF  }
0x98: {  	s19 =	sld [smem:$0x3FDB];
	_ =	sdelay $0x1  }
0x99: {  	s4 =	simm.s32 $_scs_section_size  }
0x9a: {  	s5 =	simm.s32 $_size__tile_overlayer_lowered;
	s6 =	simm.s32 $_tile_overlayer_lowered  }
0x9b: {  	s22 =	simm.s32 $0x1BFF;
	s21 =	sshll.u32 s6, $0x1;
	s3 =	sadd.s32 s4, s19  }
0x9c: {  	s7 =	simm.s32 $0x0;
	s20 =	sshll.u32 s5, $0x1;
	s5 =	sadd.s32 s21, s3  }
0x9d: {  	[timem:s7], [sflag:s22] =	dma.local [hbm:s5], s20  }
0x9e: {  	_ =	swait.ge [sflag:s22], s20  }
0x9f: {  	s4 =	ssub.s32 $0x0, s20;
	[sflag:s22] =	ssyncset.done $0x0  }
0xa0: {  	[sflag:s22] =	ssyncadd.s32 s4;
	_ =	sdelay $0x1  }
0xa1: {  	s23 =	simm.s32 $0x1B8B  }
0xa2: {  	_ =	swait.ge [sflag:s23], $0x1  }
0xa3: {  	[sflag:s23] =	ssyncset.done $0x0  }
0xa4: {  	s25 =	simm.s32 $0x1B8E;
	s24 =	sld [smem:$0x3FFE];
	[sflag:s23] =	ssyncadd.s32 $0xFFFFFFFF  }
0xa5: {  	s26 =	simm.s32 $execute0_lowered;
	[smem:$0x3FD2] =	sst s25  }
0xa6: {  	s5 =	sshll.u32 s26, $0x1;
	_ =	strace $0x80000049;
	[dreg:$0x1] =	wrdreg $0xFFFFFFFF  }
0xa7: {  	s28 =	simm.s32 $_size_execute0_lowered;
	s3 =	sadd.s32 s3, s5;
	[dreg:$0x0] =	wrdreg $0x0  }
0xa8: {  	s5 =	sshll.u32 s28, $0x1;
	[dreg:$0x2] =	wrdreg s3  }
0xa9: {  	[dreg:$0x3] =	wrdreg s5  }
0xaa: {  	[dreg:$0x4] =	wrdreg $0xC0  }
0xab: {  	_ =	task [dreg:s7], $0x5FFFF  }
0xac: {  	[dreg:$0x1] =	wrdreg $0xFFFFFFFF  }
0xad: {  	[dreg:$0x0] =	wrdreg $0x60  }
0xae: {  	[dreg:$0x2] =	wrdreg s24  }
0xaf: {  	[dreg:$0x3] =	wrdreg s2  }
0xb0: {  	[dreg:$0x4] =	wrdreg $0xA8000  }
0xb1: {  	[dreg:$0x5] =	wrdreg $0x9  }
0xb2: {  	_ =	task.clear_ibuf [dreg:s7], $0x6FFFF;
	_ =	strace $0x90000049  }
0xb3: {  	s29 =	simm.s32 $0x9;
	_ =	strace $0x8000004B  }
0xb4: {  	_ =	swait.ge [sflag:s29], $0x1  }
0xb5: {  	[sflag:s29] =	ssyncadd.s32 $0xFFFFFFFF  }
0xb6: {  	_ =	strace $0x9000004B  }
0xb7: {  	_ =	sfence  }
0xb8: {  	s30 =	sld [smem:$0x0];
	_ =	sdelay $0x2  }
0xb9: {  	s31 =	sshll.u32 s1, $0xD;
	s1 =	sshrl.u32 s1, $0x2  }
0xba: {  	s3 =	sand.u32 $0x4000, s31;
	s1 =	sadd.s32 s1, s30  }
0xbb: {  	s0 =	sor.u32 s3, s0;
	s1 =	sshll.u32 s1, $0x11  }
0xbc: {  	s0 =	sor.u32 s1, s0  }
0xbd: {  	s0 =	sadd.s32 $0x8F2B, s0  }
0xbe: {  	[sflag:s0] =	ssyncadd.remote.s32 $0x1  }
0xbf: {  	_ =	sfence.sel $0xFFFF  }
0xc0: {  	[dreg:$0x0] =	wrdreg $0xFFFFFFFF;
	(pc) =	sbr.abs _section_cstart, $3  }
0xc1: {  	[dreg:$0x1] =	wrdreg $0xFFFFFFFF  }
0xc2: {  	_ =	task.clear_ibuf [dreg:s7], $0x2FFFF;
	_ =	strace $0x9FFFFFFF  }
0xc3: {  	(tm) =	ssettm $0x7FFFFFFF  }
tec
execute0_lowered:
.L_overlay_start_1:
0x0: {  	(tag) =	ssettag $0x1  }
0x1: {  	s5 =	rddreg [dreg:$0x0]  }
0x2: {  	s8 =	rddreg [dreg:$0x1]  }
0x3: {  	s1 =	rddreg [dreg:$0x2]  }
0x4: {  	s0 =	rddreg [dreg:$0x3];
	s3 =	simm.s32 $0x0;
	s2 =	srdreg.scid  }
0x5: {  	s16 =	simm.s32 $0x2800;
	s17 =	simm.s32 $0x3;
	s18 =	simm.s32 $0x1400  }
0x6: {  	s19 =	simm.s32 $0x80;
	s20 =	simm.s32 $0x6800;
	s21 =	simm.s32 $0x1  }
0x7: {  	s22 =	simm.s32 $0x2;
	s23 =	simm.s32 $0x1380;
	s24 =	simm.s32 $0x2700  }
0x8: {  	s25 =	simm.s32 $0x2780;
	[smem:$0x7FF] =	sst s3;
	s6 =	sand.u32 $0x1, s2  }
0x9: {  	s2 =	stileid.u32;
	s4 =	sadd.s32 $0xD000, s5;
	s7 =	smul.u32 $0x140000, s6  }
0xa: {  	s10 =	sadd.s32 $0x3000, s5;
	s9 =	smul.u32 $0x14000, s2;
	s11 =	sshll.u32 s6, $0x4  }
0xb: {  	s28 =	smul.u32 $0x50000, s2;
	s6 =	ssub.s32 $0x2, s6;
	s26 =	sor.u32 s2, s11  }
0xc: {  	s29 =	sshrl.u32 s6, $0x1;
	s7 =	sadd.s32 s9, s7;
	s9 =	smul.u32 $0x2800, s26  }
0xd: {  	_ =	strace $0x8000004A;
	s30 =	sshrl.u32 s28, $0x2;
	s31 =	ssub.s32 s6, s29  }
0xe: {  	s7 =	sshrl.u32 s7, $0x3;
	s11 =	smax.u32 s31, $0x1;
	s9 =	sshrl.u32 s9, $0x3  }
0xf: {  	s12 =	sadd.s32 s7, s5;
	s5 =	sadd.s32 s30, s1;
	s6 =	sadd.s32 s8, s9  }
0x10: {  	s7 =	sadd.s32 s10, s9;
	s9 =	sadd.s32 $0x280, s9;
	s13 =	sadd.s32 $0x8000, s5  }
0x11: {  	s14 =	sadd.s32 $0xC000, s5;
	s15 =	sadd.s32 $0x10000, s5;
	s8 =	sadd.s32 s8, s9  }
0x12: {  	v0 =	vimm.f32 $0.0e+00;
	s9 =	sadd.s32 s10, s9;
	s10 =	sadd.s32 $0x34200, s12;
	s12 =	sadd.s32 $0x4000, s5  }
.LBB2_1:
0x13: {  	s26 =	simm.s32 $0x0;
	s28 =	simm.s32 $0x200  }
.LBB2_2:
0x14: {  	p0 =	sne.s32 s28, $0xFE00;
	[tilespmem:s26+$0x2870] =	vst v0  }
0x15: {  	[tilespmem:s26+$0x2800] =	vst v0  }
0x16: {  	[tilespmem:s26+$0x2810] =	vst v0  }
.Ltmp0:
0x17: {  	[tilespmem:s26+$0x2820] =	vst v0;
	(pc) =	sbr.rel @p0 .LBB2_2-.Ltmp0, $4  }
0x18: {  	[tilespmem:s26+$0x2830] =	vst v0  }
0x19: {  	[tilespmem:s26+$0x2840] =	vst v0  }
0x1a: {  	[tilespmem:s26+$0x2850] =	vst v0  }
0x1b: {  	[tilespmem:s26+$0x2860] =	vst v0;
	s26 =	sshra.s32 s28, $0x2;
	s28 =	sadd.s32 $0x200, s28  }
0x1c: {  	[tilespmem:s26+$0x2870] =	vst v0  }
0x1d: {  	[tilespmem:s26+$0x2800] =	vst v0  }
0x1e: {  	[tilespmem:s26+$0x2810] =	vst v0  }
0x1f: {  	[tilespmem:s26+$0x2820] =	vst v0  }
0x20: {  	[tilespmem:s26+$0x2830] =	vst v0  }
0x21: {  	[tilespmem:s26+$0x2840] =	vst v0  }
0x22: {  	[tilespmem:s26+$0x2850] =	vst v0  }
0x23: {  	[tilespmem:s26+$0x2860] =	vst v0  }
0x24: {  	[spmem:s5] =	stream.linear.scatter [tilespmem:s16], [sflag:$0x3], $0x4000, $0x38;
	[tilespmem:$0x1E800] =	vst v63  }
0x25: {  	_ =	swait.ge [sflag:s17], $0x4000  }
0x26: {  	[sflag:s17] =	ssyncset.done $0x0  }
0x27: {  	[sflag:s17] =	ssyncadd.s32 $0xFFFFC000  }
0x28: {  	[spmem:s12] =	stream.linear.scatter [tilespmem:s16], [sflag:$0x3], $0x4000, $0x38;
	[tilespmem:$0x1E800] =	vst v63  }
0x29: {  	_ =	swait.ge [sflag:s17], $0x4000  }
0x2a: {  	[sflag:s17] =	ssyncset.done $0x0  }
0x2b: {  	[sflag:s17] =	ssyncadd.s32 $0xFFFFC000  }
0x2c: {  	[spmem:s13] =	stream.linear.scatter [tilespmem:s16], [sflag:$0x3], $0x4000, $0x38;
	[tilespmem:$0x1E800] =	vst v63  }
0x2d: {  	_ =	swait.ge [sflag:s17], $0x4000  }
0x2e: {  	[sflag:s17] =	ssyncset.done $0x0  }
0x2f: {  	[sflag:s17] =	ssyncadd.s32 $0xFFFFC000  }
0x30: {  	[spmem:s14] =	stream.linear.scatter [tilespmem:s16], [sflag:$0x3], $0x4000, $0x38;
	[tilespmem:$0x1E800] =	vst v63  }
0x31: {  	_ =	swait.ge [sflag:s17], $0x4000  }
0x32: {  	[sflag:s17] =	ssyncset.done $0x0  }
0x33: {  	[sflag:s17] =	ssyncadd.s32 $0xFFFFC000  }
0x34: {  	[spmem:s15] =	stream.linear.scatter [tilespmem:s16], [sflag:$0x3], $0x4000, $0x38;
	[tilespmem:$0x1E800] =	vst v63  }
0x35: {  	_ =	swait.ge [sflag:s17], $0x4000  }
0x36: {  	[sflag:s17] =	ssyncset.done $0x0  }
0x37: {  	[sflag:s17] =	ssyncadd.s32 $0xFFFFC000  }
0x38: {  	s30 =	simm.s32 $0x0;
	[bflag:$0x0] =	sbarrier.arrive $0xFFFF  }
0x39: {  	[tilespmem:s30], [sflag:$0x3] =	stream.linear.gather [hbm4b:s6+s30], $0x1400, $0x38;
	[tilespmem:$0x1E800] =	vst v63  }
0x3a: {  	_ =	swait.ge [sflag:s17], $0x1400  }
0x3b: {  	[sflag:s17] =	ssyncset.done $0x0  }
0x3c: {  	[sflag:s17] =	ssyncadd.s32 $0xFFFFEC00  }
0x3d: {  	[tilespmem:s18], [sflag:$0x3] =	stream.linear.gather [hbm4b:s7+s30], $0x1400, $0x38;
	[tilespmem:$0x1E800] =	vst v63  }
0x3e: {  	_ =	swait.ge [sflag:s17], $0x1400  }
0x3f: {  	[sflag:s17] =	ssyncset.done $0x0  }
0x40: {  	[sflag:s17] =	ssyncadd.s32 $0xFFFFEC00  }
0x41: {  	[tilespmem:s16], [sflag:$0x1] =	stream.indirect.gather [hbm4b:s4+s19], $0x80, s30, s19, $0xb8;
	[tilespmem:$0x1E800] =	vst v63  }
0x42: {  	s31 =	simm.s32 $0x80  }
0x43: {  	[tilespmem:s20], [sflag:$0x2] =	stream.indirect.gather [hbm4b:s4+s19], $0x80, s31, s19, $0xb8;
	[tilespmem:$0x1E800] =	vst v63  }
0x44: {  	_ =	swait.ge [sflag:s21], $0x4000  }
0x45: {  	[sflag:s21] =	ssyncset.done $0x0  }
0x46: {  	s29 =	simm.s32 $0x1400;
	[sflag:s21] =	ssyncadd.s32 $0xFFFFC000  }
0x47: {  	[spmem:s1] =	stream.indirect.scatter.add.f32 [tilespmem:s16], [sflag:$0x3], $0x80, s29, s19, $0xb8;
	[tilespmem:$0x1E800] =	vst v63  }
0x48: {  	_ =	swait.ge [sflag:s17], $0x4000  }
0x49: {  	[sflag:s17] =	ssyncset.done $0x0  }
0x4a: {  	s30 =	simm.s32 $0x100;
	[sflag:s17] =	ssyncadd.s32 $0xFFFFC000  }
0x4b: {  	[tilespmem:s16], [sflag:$0x1] =	stream.indirect.gather [hbm4b:s4+s19], $0x80, s30, s19, $0xb8;
	[tilespmem:$0x1E800] =	vst v63  }
0x4c: {  	_ =	swait.ge [sflag:s22], $0x4000  }
0x4d: {  	[sflag:s22] =	ssyncset.done $0x0  }
0x4e: {  	s31 =	simm.s32 $0x1480;
	[sflag:s22] =	ssyncadd.s32 $0xFFFFC000  }
0x4f: {  	[spmem:s1] =	stream.indirect.scatter.add.f32 [tilespmem:s20], [sflag:$0x3], $0x80, s31, s19, $0xb8;
	[tilespmem:$0x1E800] =	vst v63  }
0x50: {  	_ =	swait.ge [sflag:s17], $0x4000  }
0x51: {  	s28 =	simm.s32 $0x800;
	s26 =	simm.s32 $0x100;
	[sflag:s17] =	ssyncset.done $0x0  }
.LBB2_4:
0x52: {  	s29 =	sadd.s32 $0x80, s26  }
0x53: {  	[sflag:s17] =	ssyncadd.s32 $0xFFFFC000;
	s30 =	smov.u32 s28;
	s31 =	sadd.s32 $0x400, s28  }
0x54: {  	[tilespmem:s20], [sflag:$0x2] =	stream.indirect.gather [hbm4b:s4+s19], $0x80, s29, s19, $0xb8;
	[tilespmem:$0x1E800] =	vst v63  }
0x55: {  	p0 =	sne.s32 s28, $0x4800;
	_ =	swait.ge [sflag:s21], $0x4000  }
0x56: {  	[sflag:s21] =	ssyncset.done $0x0  }
0x57: {  	s28 =	sadd.s32 $0x1400, s26;
	[sflag:s21] =	ssyncadd.s32 $0xFFFFC000  }
0x58: {  	[spmem:s1] =	stream.indirect.scatter.add.f32 [tilespmem:s16], [sflag:$0x3], $0x80, s28, s19, $0xb8;
	[tilespmem:$0x1E800] =	vst v63  }
0x59: {  	_ =	swait.ge [sflag:s17], $0x4000  }
0x5a: {  	[sflag:s17] =	ssyncset.done $0x0  }
0x5b: {  	s28 =	sadd.s32 $0x100, s26;
	[sflag:s17] =	ssyncadd.s32 $0xFFFFC000  }
0x5c: {  	[tilespmem:s16], [sflag:$0x1] =	stream.indirect.gather [hbm4b:s4+s19], $0x80, s28, s19, $0xb8;
	[tilespmem:$0x1E800] =	vst v63  }
0x5d: {  	_ =	swait.ge [sflag:s22], $0x4000  }
.Ltmp1:
0x5e: {  	[sflag:s22] =	ssyncset.done $0x0;
	(pc) =	sbr.rel @p0 .LBB2_4-.Ltmp1, $4  }
0x5f: {  	s26 =	sadd.s32 $0x1480, s26;
	[sflag:s22] =	ssyncadd.s32 $0xFFFFC000  }
0x60: {  	[spmem:s1] =	stream.indirect.scatter.add.f32 [tilespmem:s20], [sflag:$0x3], $0x80, s26, s19, $0xb8;
	[tilespmem:$0x1E800] =	vst v63  }
0x61: {  	_ =	swait.ge [sflag:s17], $0x4000  }
0x62: {  	s28 =	smov.u32 s31;
	s26 =	sshra.s32 s30, $0x2;
	[sflag:s17] =	ssyncset.done $0x0  }
0x63: {  	s28 =	sadd.s32 $0x80, s26;
	[sflag:s17] =	ssyncadd.s32 $0xFFFFC000  }
0x64: {  	[tilespmem:s20], [sflag:$0x2] =	stream.indirect.gather [hbm4b:s4+s19], $0x80, s28, s19, $0xb8;
	[tilespmem:$0x1E800] =	vst v63  }
0x65: {  	_ =	swait.ge [sflag:s21], $0x4000  }
0x66: {  	[sflag:s21] =	ssyncset.done $0x0  }
0x67: {  	s28 =	sadd.s32 $0x1400, s26;
	[sflag:s21] =	ssyncadd.s32 $0xFFFFC000  }
0x68: {  	[spmem:s1] =	stream.indirect.scatter.add.f32 [tilespmem:s16], [sflag:$0x3], $0x80, s28, s19, $0xb8;
	[tilespmem:$0x1E800] =	vst v63  }
0x69: {  	_ =	swait.ge [sflag:s17], $0x4000  }
0x6a: {  	[sflag:s17] =	ssyncset.done $0x0  }
0x6b: {  	s28 =	sadd.s32 $0x100, s26;
	[sflag:s17] =	ssyncadd.s32 $0xFFFFC000  }
0x6c: {  	[tilespmem:s16], [sflag:$0x1] =	stream.indirect.gather [hbm4b:s4+s19], $0x80, s28, s19, $0xb8;
	[tilespmem:$0x1E800] =	vst v63  }
0x6d: {  	_ =	swait.ge [sflag:s22], $0x4000  }
0x6e: {  	[sflag:s22] =	ssyncset.done $0x0  }
0x6f: {  	s29 =	sadd.s32 $0x1480, s26;
	[sflag:s22] =	ssyncadd.s32 $0xFFFFC000  }
0x70: {  	[spmem:s1] =	stream.indirect.scatter.add.f32 [tilespmem:s20], [sflag:$0x3], $0x80, s29, s19, $0xb8;
	[tilespmem:$0x1E800] =	vst v63  }
0x71: {  	_ =	swait.ge [sflag:s17], $0x4000  }
0x72: {  	[sflag:s17] =	ssyncset.done $0x0  }
0x73: {  	[sflag:s17] =	ssyncadd.s32 $0xFFFFC000  }
0x74: {  	[tilespmem:s20], [sflag:$0x2] =	stream.indirect.gather [hbm4b:s4+s19], $0x80, s23, s19, $0xb8;
	[tilespmem:$0x1E800] =	vst v63  }
0x75: {  	_ =	swait.ge [sflag:s21], $0x4000  }
0x76: {  	[sflag:s21] =	ssyncset.done $0x0  }
0x77: {  	[sflag:s21] =	ssyncadd.s32 $0xFFFFC000  }
0x78: {  	[spmem:s1] =	stream.indirect.scatter.add.f32 [tilespmem:s16], [sflag:$0x3], $0x80, s24, s19, $0xb8;
	[tilespmem:$0x1E800] =	vst v63  }
0x79: {  	_ =	swait.ge [sflag:s17], $0x4000  }
0x7a: {  	[sflag:s17] =	ssyncset.done $0x0  }
0x7b: {  	[sflag:s17] =	ssyncadd.s32 $0xFFFFC000  }
0x7c: {  	_ =	swait.ge [sflag:s22], $0x4000  }
0x7d: {  	[sflag:s22] =	ssyncset.done $0x0  }
0x7e: {  	[sflag:s22] =	ssyncadd.s32 $0xFFFFC000  }
0x7f: {  	[spmem:s1] =	stream.indirect.scatter.add.f32 [tilespmem:s20], [sflag:$0x3], $0x80, s25, s19, $0xb8;
	[tilespmem:$0x1E800] =	vst v63  }
0x80: {  	_ =	swait.ge [sflag:s17], $0x4000  }
0x81: {  	[sflag:s17] =	ssyncset.done $0x0  }
0x82: {  	s30 =	simm.s32 $0x0;
	[sflag:s17] =	ssyncadd.s32 $0xFFFFC000  }
0x83: {  	[tilespmem:s30], [sflag:$0x3] =	stream.linear.gather [hbm4b:s8+s30], $0x1400, $0x38;
	[tilespmem:$0x1E800] =	vst v63  }
0x84: {  	_ =	swait.ge [sflag:s17], $0x1400  }
0x85: {  	[sflag:s17] =	ssyncset.done $0x0  }
0x86: {  	[sflag:s17] =	ssyncadd.s32 $0xFFFFEC00  }
0x87: {  	[tilespmem:s18], [sflag:$0x3] =	stream.linear.gather [hbm4b:s9+s30], $0x1400, $0x38;
	[tilespmem:$0x1E800] =	vst v63  }
0x88: {  	_ =	swait.ge [sflag:s17], $0x1400  }
0x89: {  	[sflag:s17] =	ssyncset.done $0x0  }
0x8a: {  	[sflag:s17] =	ssyncadd.s32 $0xFFFFEC00  }
0x8b: {  	[tilespmem:s16], [sflag:$0x1] =	stream.indirect.gather [hbm4b:s4+s19], $0x80, s30, s19, $0xb8;
	[tilespmem:$0x1E800] =	vst v63  }
0x8c: {  	s31 =	simm.s32 $0x80  }
0x8d: {  	[tilespmem:s20], [sflag:$0x2] =	stream.indirect.gather [hbm4b:s4+s19], $0x80, s31, s19, $0xb8;
	[tilespmem:$0x1E800] =	vst v63  }
0x8e: {  	_ =	swait.ge [sflag:s21], $0x4000  }
0x8f: {  	[sflag:s21] =	ssyncset.done $0x0  }
0x90: {  	s29 =	simm.s32 $0x1400;
	[sflag:s21] =	ssyncadd.s32 $0xFFFFC000  }
0x91: {  	[spmem:s1] =	stream.indirect.scatter.add.f32 [tilespmem:s16], [sflag:$0x3], $0x80, s29, s19, $0xb8;
	[tilespmem:$0x1E800] =	vst v63  }
0x92: {  	_ =	swait.ge [sflag:s17], $0x4000  }
0x93: {  	[sflag:s17] =	ssyncset.done $0x0  }
0x94: {  	s30 =	simm.s32 $0x100;
	[sflag:s17] =	ssyncadd.s32 $0xFFFFC000  }
0x95: {  	[tilespmem:s16], [sflag:$0x1] =	stream.indirect.gather [hbm4b:s4+s19], $0x80, s30, s19, $0xb8;
	[tilespmem:$0x1E800] =	vst v63  }
0x96: {  	_ =	swait.ge [sflag:s22], $0x4000  }
0x97: {  	[sflag:s22] =	ssyncset.done $0x0  }
0x98: {  	s31 =	simm.s32 $0x1480;
	[sflag:s22] =	ssyncadd.s32 $0xFFFFC000  }
0x99: {  	[spmem:s1] =	stream.indirect.scatter.add.f32 [tilespmem:s20], [sflag:$0x3], $0x80, s31, s19, $0xb8;
	[tilespmem:$0x1E800] =	vst v63  }
0x9a: {  	_ =	swait.ge [sflag:s17], $0x4000  }
0x9b: {  	s26 =	simm.s32 $0x100;
	s28 =	simm.s32 $0x800;
	[sflag:s17] =	ssyncset.done $0x0  }
.LBB2_6:
0x9c: {  	s29 =	sadd.s32 $0x80, s26  }
0x9d: {  	[sflag:s17] =	ssyncadd.s32 $0xFFFFC000;
	s30 =	smov.u32 s28;
	s31 =	sadd.s32 $0x400, s28  }
0x9e: {  	[tilespmem:s20], [sflag:$0x2] =	stream.indirect.gather [hbm4b:s4+s19], $0x80, s29, s19, $0xb8;
	[tilespmem:$0x1E800] =	vst v63  }
0x9f: {  	p0 =	sne.s32 s28, $0x4800;
	_ =	swait.ge [sflag:s21], $0x4000  }
0xa0: {  	[sflag:s21] =	ssyncset.done $0x0  }
0xa1: {  	s28 =	sadd.s32 $0x1400, s26;
	[sflag:s21] =	ssyncadd.s32 $0xFFFFC000  }
0xa2: {  	[spmem:s1] =	stream.indirect.scatter.add.f32 [tilespmem:s16], [sflag:$0x3], $0x80, s28, s19, $0xb8;
	[tilespmem:$0x1E800] =	vst v63  }
0xa3: {  	_ =	swait.ge [sflag:s17], $0x4000  }
0xa4: {  	[sflag:s17] =	ssyncset.done $0x0  }
0xa5: {  	s28 =	sadd.s32 $0x100, s26;
	[sflag:s17] =	ssyncadd.s32 $0xFFFFC000  }
0xa6: {  	[tilespmem:s16], [sflag:$0x1] =	stream.indirect.gather [hbm4b:s4+s19], $0x80, s28, s19, $0xb8;
	[tilespmem:$0x1E800] =	vst v63  }
0xa7: {  	_ =	swait.ge [sflag:s22], $0x4000  }
.Ltmp2:
0xa8: {  	[sflag:s22] =	ssyncset.done $0x0;
	(pc) =	sbr.rel @p0 .LBB2_6-.Ltmp2, $4  }
0xa9: {  	s26 =	sadd.s32 $0x1480, s26;
	[sflag:s22] =	ssyncadd.s32 $0xFFFFC000  }
0xaa: {  	[spmem:s1] =	stream.indirect.scatter.add.f32 [tilespmem:s20], [sflag:$0x3], $0x80, s26, s19, $0xb8;
	[tilespmem:$0x1E800] =	vst v63  }
0xab: {  	_ =	swait.ge [sflag:s17], $0x4000  }
0xac: {  	s28 =	smov.u32 s31;
	s26 =	sshra.s32 s30, $0x2;
	[sflag:s17] =	ssyncset.done $0x0  }
0xad: {  	s28 =	sadd.s32 $0x80, s26;
	[sflag:s17] =	ssyncadd.s32 $0xFFFFC000  }
0xae: {  	[tilespmem:s20], [sflag:$0x2] =	stream.indirect.gather [hbm4b:s4+s19], $0x80, s28, s19, $0xb8;
	[tilespmem:$0x1E800] =	vst v63  }
0xaf: {  	_ =	swait.ge [sflag:s21], $0x4000  }
0xb0: {  	[sflag:s21] =	ssyncset.done $0x0  }
0xb1: {  	s30 =	sadd.s32 $0x1400, s26;
	[sflag:s21] =	ssyncadd.s32 $0xFFFFC000  }
0xb2: {  	[spmem:s1] =	stream.indirect.scatter.add.f32 [tilespmem:s16], [sflag:$0x3], $0x80, s30, s19, $0xb8;
	[tilespmem:$0x1E800] =	vst v63  }
0xb3: {  	_ =	swait.ge [sflag:s17], $0x4000  }
0xb4: {  	[sflag:s17] =	ssyncset.done $0x0  }
0xb5: {  	s31 =	sadd.s32 $0x100, s26;
	[sflag:s17] =	ssyncadd.s32 $0xFFFFC000  }
0xb6: {  	[tilespmem:s16], [sflag:$0x1] =	stream.indirect.gather [hbm4b:s4+s19], $0x80, s31, s19, $0xb8;
	[tilespmem:$0x1E800] =	vst v63  }
0xb7: {  	_ =	swait.ge [sflag:s22], $0x4000  }
0xb8: {  	[sflag:s22] =	ssyncset.done $0x0  }
0xb9: {  	s29 =	sadd.s32 $0x1480, s26;
	[sflag:s22] =	ssyncadd.s32 $0xFFFFC000  }
0xba: {  	[spmem:s1] =	stream.indirect.scatter.add.f32 [tilespmem:s20], [sflag:$0x3], $0x80, s29, s19, $0xb8;
	[tilespmem:$0x1E800] =	vst v63  }
0xbb: {  	_ =	swait.ge [sflag:s17], $0x4000  }
0xbc: {  	[sflag:s17] =	ssyncset.done $0x0  }
0xbd: {  	[sflag:s17] =	ssyncadd.s32 $0xFFFFC000  }
0xbe: {  	[tilespmem:s20], [sflag:$0x2] =	stream.indirect.gather [hbm4b:s4+s19], $0x80, s23, s19, $0xb8;
	[tilespmem:$0x1E800] =	vst v63  }
0xbf: {  	_ =	swait.ge [sflag:s21], $0x4000  }
0xc0: {  	[sflag:s21] =	ssyncset.done $0x0  }
0xc1: {  	[sflag:s21] =	ssyncadd.s32 $0xFFFFC000  }
0xc2: {  	[spmem:s1] =	stream.indirect.scatter.add.f32 [tilespmem:s16], [sflag:$0x3], $0x80, s24, s19, $0xb8;
	[tilespmem:$0x1E800] =	vst v63  }
0xc3: {  	_ =	swait.ge [sflag:s17], $0x4000  }
0xc4: {  	[sflag:s17] =	ssyncset.done $0x0  }
0xc5: {  	[sflag:s17] =	ssyncadd.s32 $0xFFFFC000  }
0xc6: {  	_ =	swait.ge [sflag:s22], $0x4000  }
0xc7: {  	[sflag:s22] =	ssyncset.done $0x0  }
0xc8: {  	[sflag:s22] =	ssyncadd.s32 $0xFFFFC000  }
0xc9: {  	[spmem:s1] =	stream.indirect.scatter.add.f32 [tilespmem:s20], [sflag:$0x3], $0x80, s25, s19, $0xb8;
	[tilespmem:$0x1E800] =	vst v63  }
0xca: {  	_ =	swait.ge [sflag:s17], $0x4000  }
0xcb: {  	s3 =	sadd.s32 $0x1, s3;
	s30 =	sshll.u32 s2, $0x6;
	[sflag:s17] =	ssyncset.done $0x0  }
0xcc: {  	p0 =	sne.s32 s3, s11;
	s26 =	sor.u32 $0x1C03, s30;
	[sflag:s17] =	ssyncadd.s32 $0xFFFFC000  }
.Ltmp3:
0xcd: {  	s31 =	sshrl.u32 s5, $0x3;
	[bflag:$0x0] =	sbarrier.arrive $0xFFFF;
	(pc) =	sbr.rel @p0 .LBB2_1-.Ltmp3, $4  }
0xce: {  	[hbm:s10], [sflag:s26] =	dma.local [spmem:s31], $0x2800  }
0xcf: {  	_ =	swait.ge [sflag:s17], $0x2800  }
0xd0: {  	[sflag:s17] =	ssyncset.done $0x0  }
0xd1: {  	[sflag:s17] =	ssyncadd.s32 $0xFFFFD800  }
0xd2: {  	_ =	sfence.sel $0x180000  }
0xd3: {  	[bflag:$0x0] =	sbarrier.arrive $0xFFFF  }
0xd4: {  	p0 =	sne.s32 s2, $0x0;
	_ =	strace $0x9000004A  }
0xd5: {  	s0 =	sadd.s32 @!p0 $0x100000, s0;
	[bflag:$0x2] =	sbarrier.arrive $0xFFFF  }
0xd6: {  	[sflag:s0] =	ssyncadd.tile.s32 @!p0 $0x1;
	_ =	shalt  }
.Lfunc_end2:
_tile_overlayer_lowered:
.L_overlay_start_2:
0xd7: {  	(tag) =	ssettag $0x2  }
0xd8: {  	s0 =	rddreg [dreg:$0x0];
	s2 =	stileid.u32  }
0xd9: {  	s1 =	rddreg [dreg:$0x1];
	p0 =	sne.s32 s2, $0x0  }
0xda: {  	s3 =	rddreg [dreg:$0x2];
	[bflag:$0x3] =	sbarrier.arrive $0xFFFF;
	s2 =	simm.s32 @!p0 $0x1C03  }
0xdb: {  	[timem:s3], [sflag:s2] =	dma.local @!p0 [hbm:s0], s1  }
0xdc: {  	s0 =	simm.s32 @!p0 $0x3  }
0xdd: {  	_ =	swait.ge @!p0 [sflag:s0], s1  }
0xde: {  	s1 =	ssub.s32 @!p0 $0x0, s1;
	[sflag:s0] =	ssyncset.done @!p0 $0x0  }
0xdf: {  	[sflag:s0] =	ssyncadd.s32 @!p0 s1  }
0xe0: {  	[bflag:$0x3] =	sbarrier.arrive $0xFFFF  }
0xe1: {  	_ =	shalt  }

</sc_bundles>
